<compile_context>
chip_gen: v7x
topology: tpu7x:2x2x1
jax: 0.10.2.dev20260603
libtpu: 0.0.44.dev20260713+nightly
codegen_flags: <defaults>
</compile_context>

<pallas_src>
import functools

import jax
import jax.numpy as jnp
from jax import lax
from jax.experimental import pallas as pl
from jax.experimental.pallas import tpu as pltpu
from jax.experimental.pallas import tpu_sc as plsc

_N = 10000
_E = 320000
_DF = 128
_DI = 64

_NC = 2
_NS = 16
_NW = _NC * _NS
_CHUNK = 128
_EPW = 10240
_E_PAD = _NW * _EPW
_PAD_ROWS = 16
_N_ACC = _N + 112
_RPT = _N_ACC // _NS


def _leaky(v):
    return jnp.where(v >= 0, v, 0.01 * v)



def _make_sc_scatter(d, chunk, nbuf, hch):
    nchunk = _EPW // chunk
    mesh = plsc.VectorSubcoreMesh(core_axis_name="c", subcore_axis_name="s",
                                  num_cores=_NC, num_subcores=_NS)

    params = (pltpu.CompilerParams(use_tc_tiling_on_sc=False)
              if d % 128 != 0 else None)

    @functools.partial(
        pl.kernel,
        out_type=jax.ShapeDtypeStruct((_NC, _N_ACC, d), jnp.float32),
        mesh=mesh,
        compiler_params=params,
        scratch_types=[
            pltpu.VMEM((hch, chunk), jnp.int32),
            pltpu.VMEM((hch, chunk), jnp.int32),
            [pltpu.VMEM((chunk, d), jnp.float32) for _ in range(nbuf)],
            pltpu.VMEM_SHARED((_N_ACC, d), jnp.float32),
            [pltpu.SemaphoreType.DMA for _ in range(nbuf)],
            [pltpu.SemaphoreType.DMA for _ in range(nbuf)],
        ],
    )
    def sc_scatter(xw_hbm, src_hbm, dst_hbm, out_hbm,
                   src_v, dst_v, rows, acc_sh, gsem, ssem):
        c = lax.axis_index("c")
        s = lax.axis_index("s")
        w = c * _NS + s

        def gather(j, b):
            pltpu.async_copy(xw_hbm.at[src_v.at[j]], rows[b], gsem[b])

        def gather_wait(b):
            pltpu.make_async_copy(xw_hbm.at[src_v.at[0]], rows[b],
                                  gsem[b]).wait()

        def scatter(j, b):
            pltpu.async_copy(rows[b], acc_sh.at[dst_v.at[j]], ssem[b],
                             add=True)

        def scatter_wait(b):
            pltpu.make_async_copy(rows[b], acc_sh.at[dst_v.at[0]],
                                  ssem[b]).wait()

        def zbody(r, carry):
            for k in range(d // 16):
                rows[0][r, pl.ds(16 * k, 16)] = jnp.zeros((16,), jnp.float32)
            return carry

        lax.fori_loop(0, chunk, zbody, 0)
        for t in range(_RPT // chunk):
            pltpu.sync_copy(rows[0],
                            acc_sh.at[pl.ds(s * _RPT + t * chunk, chunk)])
        rem = _RPT % chunk
        if rem:
            pltpu.sync_copy(
                rows[0].at[pl.ds(0, rem)],
                acc_sh.at[pl.ds(s * _RPT + (_RPT // chunk) * chunk, rem)])
        plsc.subcore_barrier()

        for p in range(nchunk // hch):
            base = w * nchunk + p * hch
            pltpu.sync_copy(src_hbm.at[pl.ds(base, hch)], src_v)
            pltpu.sync_copy(dst_hbm.at[pl.ds(base, hch)], dst_v)
            if nbuf == 2:
                gather(0, 0)
                gather(1, 1)

                def body(g, carry):
                    j = 2 * g
                    for i in range(2):
                        gather_wait(i)
                        scatter(j + i, i)
                        scatter_wait(i)
                        gather(j + i + 2, i)
                    return carry

                lax.fori_loop(0, hch // 2 - 1, body, 0)
                gather_wait(0)
                scatter(hch - 2, 0)
                gather_wait(1)
                scatter(hch - 1, 1)
                scatter_wait(0)
                scatter_wait(1)
            else:
                gather(0, 0)
                gather(1, 1)
                gather_wait(0)
                scatter(0, 0)
                gather(2, 2)
                gather_wait(1)
                scatter(1, 1)
                gather(3, 3)

                def body(g, carry):
                    j = 4 * g + 2
                    for i in range(4):
                        b = (2 + i) % 4
                        gather_wait(b)
                        scatter(j + i, b)
                        scatter_wait((b + 2) % 4)
                        gather(j + i + 2, (b + 2) % 4)
                    return carry

                lax.fori_loop(0, (hch - 4) // 4, body, 0)
                gather_wait(2)
                scatter(hch - 2, 2)
                gather_wait(3)
                scatter(hch - 1, 3)
                for b in range(4):
                    scatter_wait(b)
        plsc.subcore_barrier()
        pltpu.sync_copy(acc_sh.at[pl.ds(s * _RPT, _RPT)],
                        out_hbm.at[c, pl.ds(s * _RPT, _RPT)])

    return sc_scatter


_sc_scatter_128 = _make_sc_scatter(_DF, _CHUNK, 2, 40)
_sc_scatter_64 = _make_sc_scatter(_DI, _CHUNK, 4, 80)



_BLK = 2000


def _dot(a, b):
    return jnp.dot(a, b, preferred_element_type=jnp.float32)


_EBLK = _E_PAD // (_N // _BLK)
_ROWS_PER_STEP = _EBLK // _CHUNK


def _normed(x_ref):
    x = x_ref[...]
    nrm = jnp.sqrt(jnp.sum(x * x, axis=1, keepdims=True))
    return x / jnp.maximum(nrm, 1e-12)


def _pre_a_body(x_ref, c1_ref, ei_ref, xw_ref, src_ref, dst_ref):
    xw_ref[...] = _dot(_normed(x_ref), c1_ref[...])
    i = pl.program_id(0)
    eid = (i * _EBLK
           + lax.broadcasted_iota(jnp.int32, (_ROWS_PER_STEP, _CHUNK), 0)
           * _CHUNK
           + lax.broadcasted_iota(jnp.int32, (_ROWS_PER_STEP, _CHUNK), 1))
    real = eid < _E
    s_in = ei_ref[0].reshape(_ROWS_PER_STEP, _CHUNK)
    d_in = ei_ref[1].reshape(_ROWS_PER_STEP, _CHUNK)
    src_ref[...] = jnp.where(real, s_in, eid - _E)
    dst_ref[...] = jnp.where(real, d_in, _N + ((eid - _E) & (_PAD_ROWS - 1)))


def _pre_b_body(x_ref, id_ref, l1w_ref, l1b_ref, xhat_ref):
    xn = _normed(x_ref)
    xhat_ref[...] = _leaky(_dot(xn, l1w_ref[...]) + l1b_ref[...]) + id_ref[...]


def _mid_a_body(h0_ref, h1_ref, xhat_ref, g1w_ref, g1b_ref, c2_ref,
                xw2_ref, x2_ref):
    h = _leaky(h0_ref[0] + h1_ref[0])
    x2 = _leaky(_dot(h, g1w_ref[...]) + g1b_ref[...] + xhat_ref[...])
    xw2_ref[...] = _dot(x2, c2_ref[...])
    x2_ref[...] = x2


def _mid_b_body(x2_ref, id_ref, l2w_ref, l2b_ref, xhat2_ref):
    xhat2_ref[...] = (_leaky(_dot(x2_ref[...], l2w_ref[...]) + l2b_ref[...])
                      + id_ref[...])


def _post_body(h0_ref, h1_ref, xhat2_ref, g2w_ref, g2b_ref, o_ref):
    h = _leaky(h0_ref[0] + h1_ref[0])
    o_ref[...] = _leaky(_dot(h, g2w_ref[...]) + g2b_ref[...] + xhat2_ref[...])


def _row_spec(d):
    return pl.BlockSpec((_BLK, d), lambda i: (i, 0))


def _part_spec(core, d):
    return pl.BlockSpec((1, _BLK, d), lambda i, _c=core: (_c, i, 0))


def _full_spec(r, c):
    return pl.BlockSpec((r, c), lambda i: (0, 0))


_GRID = _N // _BLK

_pre_a_call = pl.pallas_call(
    _pre_a_body,
    grid=(_GRID,),
    in_specs=[_row_spec(_DF), _full_spec(_DF, _DF),
              pl.BlockSpec((2, _EBLK), lambda i: (0, i))],
    out_specs=[_row_spec(_DF),
               pl.BlockSpec((_ROWS_PER_STEP, _CHUNK), lambda i: (i, 0)),
               pl.BlockSpec((_ROWS_PER_STEP, _CHUNK), lambda i: (i, 0))],
    out_shape=[jax.ShapeDtypeStruct((_N, _DF), jnp.float32),
               jax.ShapeDtypeStruct((_E_PAD // _CHUNK, _CHUNK), jnp.int32),
               jax.ShapeDtypeStruct((_E_PAD // _CHUNK, _CHUNK), jnp.int32)],
)

_pre_b_call = pl.pallas_call(
    _pre_b_body,
    grid=(_GRID,),
    in_specs=[_row_spec(_DF), _row_spec(_DI), _full_spec(_DF, _DI),
              _full_spec(1, _DI)],
    out_specs=_row_spec(_DI),
    out_shape=jax.ShapeDtypeStruct((_N, _DI), jnp.float32),
)

_mid_a_call = pl.pallas_call(
    _mid_a_body,
    grid=(_GRID,),
    in_specs=[_part_spec(0, _DF), _part_spec(1, _DF), _row_spec(_DI),
              _full_spec(_DF, _DI), _full_spec(1, _DI),
              _full_spec(_DI, _DI)],
    out_specs=[_row_spec(_DI), _row_spec(_DI)],
    out_shape=[jax.ShapeDtypeStruct((_N, _DI), jnp.float32),
               jax.ShapeDtypeStruct((_N, _DI), jnp.float32)],
)

_mid_b_call = pl.pallas_call(
    _mid_b_body,
    grid=(_GRID,),
    in_specs=[_row_spec(_DI), _row_spec(_DI), _full_spec(_DI, _DI),
              _full_spec(1, _DI)],
    out_specs=_row_spec(_DI),
    out_shape=jax.ShapeDtypeStruct((_N, _DI), jnp.float32),
)

_post_call = pl.pallas_call(
    _post_body,
    grid=(_GRID,),
    in_specs=[_part_spec(0, _DI), _part_spec(1, _DI), _row_spec(_DI),
              _full_spec(_DI, _DI), _full_spec(1, _DI)],
    out_specs=_row_spec(_DI),
    out_shape=jax.ShapeDtypeStruct((_N, _DI), jnp.float32),
)


def kernel(features, id_embedding, edge_index, conv1_W, lin1_W, lin1_b,
           g1_W, g1_b, conv2_W, lin2_W, lin2_b, g2_W, g2_b):
    ei = edge_index.astype(jnp.int32)
    l1b = lin1_b.reshape(1, _DI)
    g1b = g1_b.reshape(1, _DI)
    l2b = lin2_b.reshape(1, _DI)
    g2b = g2_b.reshape(1, _DI)

    xw1, src, dst = _pre_a_call(features, conv1_W, ei)
    hp1 = _sc_scatter_128(xw1, src, dst)
    xhat1 = _pre_b_call(features, id_embedding, lin1_W, l1b)
    xw2, x2 = _mid_a_call(hp1, hp1, xhat1, g1_W, g1b, conv2_W)
    hp2 = _sc_scatter_64(xw2, src, dst)
    xhat2 = _mid_b_call(x2, id_embedding, lin2_W, l2b)
    out = _post_call(hp2, hp2, xhat2, g2_W, g2b)
    return out

# --- scband reference (transcript-rebuilt; emitter-appended) ---
"""Pipeline reference for scband-gcn-43198781063543 (READ-ONLY COPY).

The authoritative reference and input builder live on the scoring server;
editing this copy changes nothing except your own understanding.
"""

import jax, jax.numpy as jnp
import numpy as np

N = 10000
E = 320000
D_FEAT = 128
D_ID = 64


def setup_inputs(seed: int = 0) -> dict:
    key = jax.random.key(seed)
    ks = [jax.random.fold_in(key, i) for i in range(16)]
    inp = {}
    inp['features'] = jax.random.normal(ks[0], (N, D_FEAT), dtype=jnp.float32)
    inp['id_embedding'] = jax.random.normal(ks[1], (N, D_ID), dtype=jnp.float32)
    inp['edge_index'] = jax.random.randint(ks[2], (2, E), 0, N).astype(jnp.int64)
    # layer 1 params (dim_latent=None -> conv at dim_feat)
    inp['conv1_W'] = jax.random.normal(ks[3], (D_FEAT, D_FEAT), dtype=jnp.float32) * (1.0 / np.sqrt(D_FEAT))
    inp['lin1_W'] = jax.random.normal(ks[4], (D_FEAT, D_ID), dtype=jnp.float32) * (1.0 / np.sqrt(D_FEAT))
    inp['lin1_b'] = jnp.zeros((D_ID,), dtype=jnp.float32)
    inp['g1_W'] = jax.random.normal(ks[5], (D_FEAT, D_ID), dtype=jnp.float32) * (1.0 / np.sqrt(D_FEAT))
    inp['g1_b'] = jnp.zeros((D_ID,), dtype=jnp.float32)
    # layer 2 params
    inp['conv2_W'] = jax.random.normal(ks[6], (D_ID, D_ID), dtype=jnp.float32) * (1.0 / np.sqrt(D_ID))
    inp['lin2_W'] = jax.random.normal(ks[7], (D_ID, D_ID), dtype=jnp.float32) * (1.0 / np.sqrt(D_ID))
    inp['lin2_b'] = jnp.zeros((D_ID,), dtype=jnp.float32)
    inp['g2_W'] = jax.random.normal(ks[8], (D_ID, D_ID), dtype=jnp.float32) * (1.0 / np.sqrt(D_ID))
    inp['g2_b'] = jnp.zeros((D_ID,), dtype=jnp.float32)
    return inp


def _leaky(v):
    return jnp.where(v >= 0, v, 0.01 * v)


def _conv(x, W, edge_index, n_nodes):
    # BaseModel: x = x @ W, then propagate with aggr='add'
    # message = x_j (gather from source = edge_index[0]),
    # scatter-add into target = edge_index[1]
    xw = x @ W
    src = edge_index[0]
    dst = edge_index[1]
    msgs = jnp.take(xw, src, axis=0)
    out = jax.ops.segment_sum(msgs, dst, num_segments=n_nodes)
    return out


def reference(features, id_embedding, edge_index, conv1_W, lin1_W, lin1_b, g1_W, g1_b, conv2_W, lin2_W, lin2_b, g2_W, g2_b):
    # dim_latent is None -> no MLP
    x = features
    # F.normalize: L2 row-normalize with eps=1e-12
    norm = jnp.linalg.norm(x, axis=1, keepdims=True)
    x = x / jnp.clip(norm, 1e-12)
    # layer 1
    h = _leaky(_conv(x, conv1_W, edge_index, N))
    x_hat = _leaky(x @ lin1_W + lin1_b) + id_embedding  # has_id=True
    x = _leaky(h @ g1_W + g1_b + x_hat)  # concate=False
    # layer 2
    h = _leaky(_conv(x, conv2_W, edge_index, N))
    x_hat = _leaky(x @ lin2_W + lin2_b) + id_embedding
    x = _leaky(h @ g2_W + g2_b + x_hat)
    return x


if False:  # reference __main__ guard neutralized (emitter)
    out = reference(**setup_inputs())
    print(out.shape, out.dtype)

if __name__ == "__main__":
    import jax
    _d = setup_inputs()
    print(jax.jit(kernel)(*tuple(_d.values())))

</pallas_src>

<mosaic_0001>
#map = affine_map<(d0, d1) -> (0, 0)>
#map1 = affine_map<(d0, d1) -> (0, 0, 0)>
module attributes {stable_mosaic.version = 14 : i64} {
  func.func @sc_scatter(%arg0: i32, %arg1: i32, %arg2: memref<10000x128xf32, #tpu.memory_space<hbm>>, %arg3: memref<2560x128xi32, #tpu.memory_space<hbm>>, %arg4: memref<2560x128xi32, #tpu.memory_space<hbm>>, %arg5: memref<2x10112x128xf32, #tpu.memory_space<hbm>>, %arg6: memref<40x128xi32, #tpu.memory_space<vmem>>, %arg7: memref<40x128xi32, #tpu.memory_space<vmem>>, %arg8: memref<128x128xf32, #tpu.memory_space<vmem>>, %arg9: memref<128x128xf32, #tpu.memory_space<vmem>>, %arg10: memref<10112x128xf32, #tpu.memory_space<vmem_shared>>, %arg11: memref<!tpu.dma_semaphore, #tpu.memory_space<semaphore_mem>>, %arg12: memref<!tpu.dma_semaphore, #tpu.memory_space<semaphore_mem>>, %arg13: memref<!tpu.dma_semaphore, #tpu.memory_space<semaphore_mem>>, %arg14: memref<!tpu.dma_semaphore, #tpu.memory_space<semaphore_mem>>) attributes {dimension_semantics = [#tpu.dimension_semantics<core_parallel>, #tpu.dimension_semantics<subcore_parallel>], iteration_bounds = array<i64: 2, 16>, scalar_prefetch = 0 : i64, scratch_operands = 9 : i64, tpu.core_type = #tpu.core_type<sc_vector_subcore>, window_params = [{transform_indices = #map}, {transform_indices = #map}, {transform_indices = #map}, {transform_indices = #map1}]} {
    %mul3A = arith.constant 16 : i32
    %mul3A_0 = arith.muli %arg0, %mul3A : i32
    %add3A = arith.addi %mul3A_0, %arg1 : i32
    %scan3A = arith.constant 0 : i32
    %scan3A_1 = arith.constant 0 : i32
    %scan3A_2 = arith.constant 128 : i32
    %scan3A_3 = arith.addi %scan3A_1, %scan3A_2 : i32
    %scan3A_4 = arith.constant 1 : i32
    scf.for %scan3A_161 = %scan3A_1 to %scan3A_3 step %scan3A_4  : i32 {
      %broadcast_in_dim3A = arith.constant 0.000000e+00 : f32
      %broadcast_in_dim3A_162 = vector.broadcast %broadcast_in_dim3A : f32 to vector<16xf32>
      %swap3A = arith.index_cast %scan3A_161 : i32 to index
      %swap3A_163 = arith.constant 0 : index
      %swap3A_164 = tpu.vector_load %arg8[%swap3A, %swap3A_163] {strides = array<i32>} : memref<128x128xf32, #tpu.memory_space<vmem>>, vector<1x16xf32>,
      %swap3A_165 = vector.shape_cast %swap3A_164 : vector<1x16xf32> to vector<16xf32>
      %swap3A_166 = vector.shape_cast %broadcast_in_dim3A_162 : vector<16xf32> to vector<1x16xf32>
      tpu.vector_store %arg8[%swap3A, %swap3A_163], %swap3A_166 {strides = array<i32>} : memref<128x128xf32, #tpu.memory_space<vmem>>, vector<1x16xf32>,
      %broadcast_in_dim3A_167 = arith.constant 0.000000e+00 : f32
      %broadcast_in_dim3A_168 = vector.broadcast %broadcast_in_dim3A_167 : f32 to vector<16xf32>
      %swap3A_169 = arith.index_cast %scan3A_161 : i32 to index
      %swap3A_170 = arith.constant 16 : index
      %swap3A_171 = tpu.vector_load %arg8[%swap3A_169, %swap3A_170] {strides = array<i32>} : memref<128x128xf32, #tpu.memory_space<vmem>>, vector<1x16xf32>,
      %swap3A_172 = vector.shape_cast %swap3A_171 : vector<1x16xf32> to vector<16xf32>
      %swap3A_173 = vector.shape_cast %broadcast_in_dim3A_168 : vector<16xf32> to vector<1x16xf32>
      tpu.vector_store %arg8[%swap3A_169, %swap3A_170], %swap3A_173 {strides = array<i32>} : memref<128x128xf32, #tpu.memory_space<vmem>>, vector<1x16xf32>,
      %broadcast_in_dim3A_174 = arith.constant 0.000000e+00 : f32
      %broadcast_in_dim3A_175 = vector.broadcast %broadcast_in_dim3A_174 : f32 to vector<16xf32>
      %swap3A_176 = arith.index_cast %scan3A_161 : i32 to index
      %swap3A_177 = arith.constant 32 : index
      %swap3A_178 = tpu.vector_load %arg8[%swap3A_176, %swap3A_177] {strides = array<i32>} : memref<128x128xf32, #tpu.memory_space<vmem>>, vector<1x16xf32>,
      %swap3A_179 = vector.shape_cast %swap3A_178 : vector<1x16xf32> to vector<16xf32>
      %swap3A_180 = vector.shape_cast %broadcast_in_dim3A_175 : vector<16xf32> to vector<1x16xf32>
      tpu.vector_store %arg8[%swap3A_176, %swap3A_177], %swap3A_180 {strides = array<i32>} : memref<128x128xf32, #tpu.memory_space<vmem>>, vector<1x16xf32>,
      %broadcast_in_dim3A_181 = arith.constant 0.000000e+00 : f32
      %broadcast_in_dim3A_182 = vector.broadcast %broadcast_in_dim3A_181 : f32 to vector<16xf32>
      %swap3A_183 = arith.index_cast %scan3A_161 : i32 to index
      %swap3A_184 = arith.constant 48 : index
      %swap3A_185 = tpu.vector_load %arg8[%swap3A_183, %swap3A_184] {strides = array<i32>} : memref<128x128xf32, #tpu.memory_space<vmem>>, vector<1x16xf32>,
      %swap3A_186 = vector.shape_cast %swap3A_185 : vector<1x16xf32> to vector<16xf32>
      %swap3A_187 = vector.shape_cast %broadcast_in_dim3A_182 : vector<16xf32> to vector<1x16xf32>
      tpu.vector_store %arg8[%swap3A_183, %swap3A_184], %swap3A_187 {strides = array<i32>} : memref<128x128xf32, #tpu.memory_space<vmem>>, vector<1x16xf32>,
      %broadcast_in_dim3A_188 = arith.constant 0.000000e+00 : f32
      %broadcast_in_dim3A_189 = vector.broadcast %broadcast_in_dim3A_188 : f32 to vector<16xf32>
      %swap3A_190 = arith.index_cast %scan3A_161 : i32 to index
      %swap3A_191 = arith.constant 64 : index
      %swap3A_192 = tpu.vector_load %arg8[%swap3A_190, %swap3A_191] {strides = array<i32>} : memref<128x128xf32, #tpu.memory_space<vmem>>, vector<1x16xf32>,
      %swap3A_193 = vector.shape_cast %swap3A_192 : vector<1x16xf32> to vector<16xf32>
      %swap3A_194 = vector.shape_cast %broadcast_in_dim3A_189 : vector<16xf32> to vector<1x16xf32>
      tpu.vector_store %arg8[%swap3A_190, %swap3A_191], %swap3A_194 {strides = array<i32>} : memref<128x128xf32, #tpu.memory_space<vmem>>, vector<1x16xf32>,
      %broadcast_in_dim3A_195 = arith.constant 0.000000e+00 : f32
      %broadcast_in_dim3A_196 = vector.broadcast %broadcast_in_dim3A_195 : f32 to vector<16xf32>
      %swap3A_197 = arith.index_cast %scan3A_161 : i32 to index
      %swap3A_198 = arith.constant 80 : index
      %swap3A_199 = tpu.vector_load %arg8[%swap3A_197, %swap3A_198] {strides = array<i32>} : memref<128x128xf32, #tpu.memory_space<vmem>>, vector<1x16xf32>,
      %swap3A_200 = vector.shape_cast %swap3A_199 : vector<1x16xf32> to vector<16xf32>
      %swap3A_201 = vector.shape_cast %broadcast_in_dim3A_196 : vector<16xf32> to vector<1x16xf32>
      tpu.vector_store %arg8[%swap3A_197, %swap3A_198], %swap3A_201 {strides = array<i32>} : memref<128x128xf32, #tpu.memory_space<vmem>>, vector<1x16xf32>,
      %broadcast_in_dim3A_202 = arith.constant 0.000000e+00 : f32
      %broadcast_in_dim3A_203 = vector.broadcast %broadcast_in_dim3A_202 : f32 to vector<16xf32>
      %swap3A_204 = arith.index_cast %scan3A_161 : i32 to index
      %swap3A_205 = arith.constant 96 : index
      %swap3A_206 = tpu.vector_load %arg8[%swap3A_204, %swap3A_205] {strides = array<i32>} : memref<128x128xf32, #tpu.memory_space<vmem>>, vector<1x16xf32>,
      %swap3A_207 = vector.shape_cast %swap3A_206 : vector<1x16xf32> to vector<16xf32>
      %swap3A_208 = vector.shape_cast %broadcast_in_dim3A_203 : vector<16xf32> to vector<1x16xf32>
      tpu.vector_store %arg8[%swap3A_204, %swap3A_205], %swap3A_208 {strides = array<i32>} : memref<128x128xf32, #tpu.memory_space<vmem>>, vector<1x16xf32>,
      %broadcast_in_dim3A_209 = arith.constant 0.000000e+00 : f32
      %broadcast_in_dim3A_210 = vector.broadcast %broadcast_in_dim3A_209 : f32 to vector<16xf32>
      %swap3A_211 = arith.index_cast %scan3A_161 : i32 to index
      %swap3A_212 = arith.constant 112 : index
      %swap3A_213 = tpu.vector_load %arg8[%swap3A_211, %swap3A_212] {strides = array<i32>} : memref<128x128xf32, #tpu.memory_space<vmem>>, vector<1x16xf32>,
      %swap3A_214 = vector.shape_cast %swap3A_213 : vector<1x16xf32> to vector<16xf32>
      %swap3A_215 = vector.shape_cast %broadcast_in_dim3A_210 : vector<16xf32> to vector<1x16xf32>
      tpu.vector_store %arg8[%swap3A_211, %swap3A_212], %swap3A_215 {strides = array<i32>} : memref<128x128xf32, #tpu.memory_space<vmem>>, vector<1x16xf32>,
    }
    %scan3A_5 = arith.constant 128 : i32
    %mul3A_6 = arith.constant 632 : i32
    %mul3A_7 = arith.muli %arg1, %mul3A_6 : i32
    %add3A_8 = arith.constant 0 : i32
    %add3A_9 = arith.addi %mul3A_7, %add3A_8 : i32
    "tpu.region"() ({
      %run_scoped3A = tpu.sem_alloc : memref<!tpu.dma_semaphore, #tpu.memory_space<semaphore_mem>>
      %dma_start3A_161 = arith.constant 0 : i32
      %dma_start3A_162 = tpu.memref_slice %arg10[%add3A_9, %dma_start3A_161] : memref<10112x128xf32, #tpu.memory_space<vmem_shared>> -> memref<128x128xf32, #tpu.memory_space<vmem_shared>>
      %dma_start3A_163 = arith.constant 0 : i32
      %dma_start3A_164 = tpu.memref_slice %arg10[%add3A_9, %dma_start3A_163] : memref<10112x128xf32, #tpu.memory_space<vmem_shared>> -> memref<128x128xf32, #tpu.memory_space<vmem_shared>>
      tpu.enqueue_dma source(%arg8 : memref<128x128xf32, #tpu.memory_space<vmem>>) target(%dma_start3A_164 : memref<128x128xf32, #tpu.memory_space<vmem_shared>>) target_semaphore(%run_scoped3A : memref<!tpu.dma_semaphore, #tpu.memory_space<semaphore_mem>>)
      %dma_wait3A_165 = arith.constant 0 : i32
      %dma_wait3A_166 = tpu.memref_slice %arg10[%add3A_9, %dma_wait3A_165] : memref<10112x128xf32, #tpu.memory_space<vmem_shared>> -> memref<128x128xf32, #tpu.memory_space<vmem_shared>>
      %dma_wait3A_167 = arith.constant 0 : i32
      %dma_wait3A_168 = tpu.memref_slice %arg10[%add3A_9, %dma_wait3A_167] : memref<10112x128xf32, #tpu.memory_space<vmem_shared>> -> memref<128x128xf32, #tpu.memory_space<vmem_shared>>
      tpu.wait_dma2 semaphore(%run_scoped3A : memref<!tpu.dma_semaphore, #tpu.memory_space<semaphore_mem>>) src(%arg8 : memref<128x128xf32, #tpu.memory_space<vmem>>) dst(%dma_wait3A_168 : memref<128x128xf32, #tpu.memory_space<vmem_shared>>)
      tpu.yield
    }) : () -> ()
    %mul3A_10 = arith.constant 632 : i32
    %mul3A_11 = arith.muli %arg1, %mul3A_10 : i32
    %add3A_12 = arith.constant 128 : i32
    %add3A_13 = arith.addi %mul3A_11, %add3A_12 : i32
    "tpu.region"() ({
      %run_scoped3A = tpu.sem_alloc : memref<!tpu.dma_semaphore, #tpu.memory_space<semaphore_mem>>
      %dma_start3A_161 = arith.constant 0 : i32
      %dma_start3A_162 = tpu.memref_slice %arg10[%add3A_13, %dma_start3A_161] : memref<10112x128xf32, #tpu.memory_space<vmem_shared>> -> memref<128x128xf32, #tpu.memory_space<vmem_shared>>
      %dma_start3A_163 = arith.constant 0 : i32
      %dma_start3A_164 = tpu.memref_slice %arg10[%add3A_13, %dma_start3A_163] : memref<10112x128xf32, #tpu.memory_space<vmem_shared>> -> memref<128x128xf32, #tpu.memory_space<vmem_shared>>
      tpu.enqueue_dma source(%arg8 : memref<128x128xf32, #tpu.memory_space<vmem>>) target(%dma_start3A_164 : memref<128x128xf32, #tpu.memory_space<vmem_shared>>) target_semaphore(%run_scoped3A : memref<!tpu.dma_semaphore, #tpu.memory_space<semaphore_mem>>)
      %dma_wait3A_165 = arith.constant 0 : i32
      %dma_wait3A_166 = tpu.memref_slice %arg10[%add3A_13, %dma_wait3A_165] : memref<10112x128xf32, #tpu.memory_space<vmem_shared>> -> memref<128x128xf32, #tpu.memory_space<vmem_shared>>
      %dma_wait3A_167 = arith.constant 0 : i32
      %dma_wait3A_168 = tpu.memref_slice %arg10[%add3A_13, %dma_wait3A_167] : memref<10112x128xf32, #tpu.memory_space<vmem_shared>> -> memref<128x128xf32, #tpu.memory_space<vmem_shared>>
      tpu.wait_dma2 semaphore(%run_scoped3A : memref<!tpu.dma_semaphore, #tpu.memory_space<semaphore_mem>>) src(%arg8 : memref<128x128xf32, #tpu.memory_space<vmem>>) dst(%dma_wait3A_168 : memref<128x128xf32, #tpu.memory_space<vmem_shared>>)
      tpu.yield
    }) : () -> ()
    %mul3A_14 = arith.constant 632 : i32
    %mul3A_15 = arith.muli %arg1, %mul3A_14 : i32
    %add3A_16 = arith.constant 256 : i32
    %add3A_17 = arith.addi %mul3A_15, %add3A_16 : i32
    "tpu.region"() ({
      %run_scoped3A = tpu.sem_alloc : memref<!tpu.dma_semaphore, #tpu.memory_space<semaphore_mem>>
      %dma_start3A_161 = arith.constant 0 : i32
      %dma_start3A_162 = tpu.memref_slice %arg10[%add3A_17, %dma_start3A_161] : memref<10112x128xf32, #tpu.memory_space<vmem_shared>> -> memref<128x128xf32, #tpu.memory_space<vmem_shared>>
      %dma_start3A_163 = arith.constant 0 : i32
      %dma_start3A_164 = tpu.memref_slice %arg10[%add3A_17, %dma_start3A_163] : memref<10112x128xf32, #tpu.memory_space<vmem_shared>> -> memref<128x128xf32, #tpu.memory_space<vmem_shared>>
      tpu.enqueue_dma source(%arg8 : memref<128x128xf32, #tpu.memory_space<vmem>>) target(%dma_start3A_164 : memref<128x128xf32, #tpu.memory_space<vmem_shared>>) target_semaphore(%run_scoped3A : memref<!tpu.dma_semaphore, #tpu.memory_space<semaphore_mem>>)
      %dma_wait3A_165 = arith.constant 0 : i32
      %dma_wait3A_166 = tpu.memref_slice %arg10[%add3A_17, %dma_wait3A_165] : memref<10112x128xf32, #tpu.memory_space<vmem_shared>> -> memref<128x128xf32, #tpu.memory_space<vmem_shared>>
      %dma_wait3A_167 = arith.constant 0 : i32
      %dma_wait3A_168 = tpu.memref_slice %arg10[%add3A_17, %dma_wait3A_167] : memref<10112x128xf32, #tpu.memory_space<vmem_shared>> -> memref<128x128xf32, #tpu.memory_space<vmem_shared>>
      tpu.wait_dma2 semaphore(%run_scoped3A : memref<!tpu.dma_semaphore, #tpu.memory_space<semaphore_mem>>) src(%arg8 : memref<128x128xf32, #tpu.memory_space<vmem>>) dst(%dma_wait3A_168 : memref<128x128xf32, #tpu.memory_space<vmem_shared>>)
      tpu.yield
    }) : () -> ()
    %mul3A_18 = arith.constant 632 : i32
    %mul3A_19 = arith.muli %arg1, %mul3A_18 : i32
    %add3A_20 = arith.constant 384 : i32
    %add3A_21 = arith.addi %mul3A_19, %add3A_20 : i32
    "tpu.region"() ({
      %run_scoped3A = tpu.sem_alloc : memref<!tpu.dma_semaphore, #tpu.memory_space<semaphore_mem>>
      %dma_start3A_161 = arith.constant 0 : i32
      %dma_start3A_162 = tpu.memref_slice %arg10[%add3A_21, %dma_start3A_161] : memref<10112x128xf32, #tpu.memory_space<vmem_shared>> -> memref<128x128xf32, #tpu.memory_space<vmem_shared>>
      %dma_start3A_163 = arith.constant 0 : i32
      %dma_start3A_164 = tpu.memref_slice %arg10[%add3A_21, %dma_start3A_163] : memref<10112x128xf32, #tpu.memory_space<vmem_shared>> -> memref<128x128xf32, #tpu.memory_space<vmem_shared>>
      tpu.enqueue_dma source(%arg8 : memref<128x128xf32, #tpu.memory_space<vmem>>) target(%dma_start3A_164 : memref<128x128xf32, #tpu.memory_space<vmem_shared>>) target_semaphore(%run_scoped3A : memref<!tpu.dma_semaphore, #tpu.memory_space<semaphore_mem>>)
      %dma_wait3A_165 = arith.constant 0 : i32
      %dma_wait3A_166 = tpu.memref_slice %arg10[%add3A_21, %dma_wait3A_165] : memref<10112x128xf32, #tpu.memory_space<vmem_shared>> -> memref<128x128xf32, #tpu.memory_space<vmem_shared>>
      %dma_wait3A_167 = arith.constant 0 : i32
      %dma_wait3A_168 = tpu.memref_slice %arg10[%add3A_21, %dma_wait3A_167] : memref<10112x128xf32, #tpu.memory_space<vmem_shared>> -> memref<128x128xf32, #tpu.memory_space<vmem_shared>>
      tpu.wait_dma2 semaphore(%run_scoped3A : memref<!tpu.dma_semaphore, #tpu.memory_space<semaphore_mem>>) src(%arg8 : memref<128x128xf32, #tpu.memory_space<vmem>>) dst(%dma_wait3A_168 : memref<128x128xf32, #tpu.memory_space<vmem_shared>>)
      tpu.yield
    }) : () -> ()
    %mul3A_22 = arith.constant 632 : i32
    %mul3A_23 = arith.muli %arg1, %mul3A_22 : i32
    %add3A_24 = arith.constant 512 : i32
    %add3A_25 = arith.addi %mul3A_23, %add3A_24 : i32
    "tpu.region"() ({
      %run_scoped3A = tpu.sem_alloc : memref<!tpu.dma_semaphore, #tpu.memory_space<semaphore_mem>>
      %dma_start3A_161 = arith.constant 0 : i32
      %dma_start3A_162 = arith.constant 0 : i32
      %dma_start3A_163 = tpu.memref_slice %arg8[%dma_start3A_161, %dma_start3A_162] : memref<128x128xf32, #tpu.memory_space<vmem>> -> memref<120x128xf32, #tpu.memory_space<vmem>>
      %dma_start3A_164 = arith.constant 0 : i32
      %dma_start3A_165 = tpu.memref_slice %arg10[%add3A_25, %dma_start3A_164] : memref<10112x128xf32, #tpu.memory_space<vmem_shared>> -> memref<120x128xf32, #tpu.memory_space<vmem_shared>>
      %dma_start3A_166 = arith.constant 0 : i32
      %dma_start3A_167 = tpu.memref_slice %arg10[%add3A_25, %dma_start3A_166] : memref<10112x128xf32, #tpu.memory_space<vmem_shared>> -> memref<120x128xf32, #tpu.memory_space<vmem_shared>>
      %dma_start3A_168 = arith.constant 0 : i32
      %dma_start3A_169 = arith.constant 0 : i32
      %dma_start3A_170 = tpu.memref_slice %arg8[%dma_start3A_168, %dma_start3A_169] : memref<128x128xf32, #tpu.memory_space<vmem>> -> memref<120x128xf32, #tpu.memory_space<vmem>>
      tpu.enqueue_dma source(%dma_start3A_170 : memref<120x128xf32, #tpu.memory_space<vmem>>) target(%dma_start3A_167 : memref<120x128xf32, #tpu.memory_space<vmem_shared>>) target_semaphore(%run_scoped3A : memref<!tpu.dma_semaphore, #tpu.memory_space<semaphore_mem>>)
      %dma_wait3A_171 = arith.constant 0 : i32
      %dma_wait3A_172 = arith.constant 0 : i32
      %dma_wait3A_173 = tpu.memref_slice %arg8[%dma_wait3A_171, %dma_wait3A_172] : memref<128x128xf32, #tpu.memory_space<vmem>> -> memref<120x128xf32, #tpu.memory_space<vmem>>
      %dma_wait3A_174 = arith.constant 0 : i32
      %dma_wait3A_175 = tpu.memref_slice %arg10[%add3A_25, %dma_wait3A_174] : memref<10112x128xf32, #tpu.memory_space<vmem_shared>> -> memref<120x128xf32, #tpu.memory_space<vmem_shared>>
      %dma_wait3A_176 = arith.constant 0 : i32
      %dma_wait3A_177 = tpu.memref_slice %arg10[%add3A_25, %dma_wait3A_176] : memref<10112x128xf32, #tpu.memory_space<vmem_shared>> -> memref<120x128xf32, #tpu.memory_space<vmem_shared>>
      %dma_wait3A_178 = arith.constant 0 : i32
      %dma_wait3A_179 = arith.constant 0 : i32
      %dma_wait3A_180 = tpu.memref_slice %arg8[%dma_wait3A_178, %dma_wait3A_179] : memref<128x128xf32, #tpu.memory_space<vmem>> -> memref<120x128xf32, #tpu.memory_space<vmem>>
      tpu.wait_dma2 semaphore(%run_scoped3A : memref<!tpu.dma_semaphore, #tpu.memory_space<semaphore_mem>>) src(%dma_wait3A_180 : memref<120x128xf32, #tpu.memory_space<vmem>>) dst(%dma_wait3A_177 : memref<120x128xf32, #tpu.memory_space<vmem_shared>>)
      tpu.yield
    }) : () -> ()
    %barrier3A = arith.constant 0 : index
    tpu.barrier barrier_id(%barrier3A)
    %mul3A_26 = arith.constant 80 : i32
    %mul3A_27 = arith.muli %add3A, %mul3A_26 : i32
    %add3A_28 = arith.constant 0 : i32
    %add3A_29 = arith.addi %mul3A_27, %add3A_28 : i32
    "tpu.region"() ({
      %run_scoped3A = tpu.sem_alloc : memref<!tpu.dma_semaphore, #tpu.memory_space<semaphore_mem>>
      %dma_start3A_161 = arith.constant 0 : i32
      %dma_start3A_162 = tpu.memref_slice %arg3[%add3A_29, %dma_start3A_161] : memref<2560x128xi32, #tpu.memory_space<hbm>> -> memref<40x128xi32, #tpu.memory_space<hbm>>
      %dma_start3A_163 = arith.constant 0 : i32
      %dma_start3A_164 = tpu.memref_slice %arg3[%add3A_29, %dma_start3A_163] : memref<2560x128xi32, #tpu.memory_space<hbm>> -> memref<40x128xi32, #tpu.memory_space<hbm>>
      tpu.enqueue_dma source(%dma_start3A_164 : memref<40x128xi32, #tpu.memory_space<hbm>>) target(%arg6 : memref<40x128xi32, #tpu.memory_space<vmem>>) target_semaphore(%run_scoped3A : memref<!tpu.dma_semaphore, #tpu.memory_space<semaphore_mem>>)
      %dma_wait3A_165 = arith.constant 0 : i32
      %dma_wait3A_166 = tpu.memref_slice %arg3[%add3A_29, %dma_wait3A_165] : memref<2560x128xi32, #tpu.memory_space<hbm>> -> memref<40x128xi32, #tpu.memory_space<hbm>>
      %dma_wait3A_167 = arith.constant 0 : i32
      %dma_wait3A_168 = tpu.memref_slice %arg3[%add3A_29, %dma_wait3A_167] : memref<2560x128xi32, #tpu.memory_space<hbm>> -> memref<40x128xi32, #tpu.memory_space<hbm>>
      tpu.wait_dma2 semaphore(%run_scoped3A : memref<!tpu.dma_semaphore, #tpu.memory_space<semaphore_mem>>) src(%dma_wait3A_168 : memref<40x128xi32, #tpu.memory_space<hbm>>) dst(%arg6 : memref<40x128xi32, #tpu.memory_space<vmem>>)
      tpu.yield
    }) : () -> ()
    "tpu.region"() ({
      %run_scoped3A = tpu.sem_alloc : memref<!tpu.dma_semaphore, #tpu.memory_space<semaphore_mem>>
      %dma_start3A_161 = arith.constant 0 : i32
      %dma_start3A_162 = tpu.memref_slice %arg4[%add3A_29, %dma_start3A_161] : memref<2560x128xi32, #tpu.memory_space<hbm>> -> memref<40x128xi32, #tpu.memory_space<hbm>>
      %dma_start3A_163 = arith.constant 0 : i32
      %dma_start3A_164 = tpu.memref_slice %arg4[%add3A_29, %dma_start3A_163] : memref<2560x128xi32, #tpu.memory_space<hbm>> -> memref<40x128xi32, #tpu.memory_space<hbm>>
      tpu.enqueue_dma source(%dma_start3A_164 : memref<40x128xi32, #tpu.memory_space<hbm>>) target(%arg7 : memref<40x128xi32, #tpu.memory_space<vmem>>) target_semaphore(%run_scoped3A : memref<!tpu.dma_semaphore, #tpu.memory_space<semaphore_mem>>)
      %dma_wait3A_165 = arith.constant 0 : i32
      %dma_wait3A_166 = tpu.memref_slice %arg4[%add3A_29, %dma_wait3A_165] : memref<2560x128xi32, #tpu.memory_space<hbm>> -> memref<40x128xi32, #tpu.memory_space<hbm>>
      %dma_wait3A_167 = arith.constant 0 : i32
      %dma_wait3A_168 = tpu.memref_slice %arg4[%add3A_29, %dma_wait3A_167] : memref<2560x128xi32, #tpu.memory_space<hbm>> -> memref<40x128xi32, #tpu.memory_space<hbm>>
      tpu.wait_dma2 semaphore(%run_scoped3A : memref<!tpu.dma_semaphore, #tpu.memory_space<semaphore_mem>>) src(%dma_wait3A_168 : memref<40x128xi32, #tpu.memory_space<hbm>>) dst(%arg7 : memref<40x128xi32, #tpu.memory_space<vmem>>)
      tpu.yield
    }) : () -> ()
    %dma_start3A = arith.constant 0 : i32
    %dma_start3A_30 = arith.constant 0 : i32
    %dma_start3A_31 = tpu.memref_slice %arg6[%dma_start3A, %dma_start3A_30] : memref<40x128xi32, #tpu.memory_space<vmem>> -> memref<1x128xi32, #tpu.memory_space<vmem>>
    %dma_start3A_32 = tpu.memref_squeeze %dma_start3A_31 : memref<1x128xi32, #tpu.memory_space<vmem>> -> memref<128xi32, #tpu.memory_space<vmem>>
    %dma_start3A_33 = arith.constant 0 : i32
    %dma_start3A_34 = arith.constant 0 : i32
    %dma_start3A_35 = tpu.memref_slice %arg2[%dma_start3A_33, %dma_start3A_34] : memref<10000x128xf32, #tpu.memory_space<hbm>> -> memref<10000x128xf32, #tpu.memory_space<hbm>>
    tpu.enqueue_indirect_dma source(%dma_start3A_35 : memref<10000x128xf32, #tpu.memory_space<hbm>>) target(%arg8 : memref<128x128xf32, #tpu.memory_space<vmem>>) offsets(%dma_start3A_32 : memref<128xi32, #tpu.memory_space<vmem>>) semaphore(%arg11 : memref<!tpu.dma_semaphore, #tpu.memory_space<semaphore_mem>>)
    %dma_start3A_36 = arith.constant 1 : i32
    %dma_start3A_37 = arith.constant 0 : i32
    %dma_start3A_38 = tpu.memref_slice %arg6[%dma_start3A_36, %dma_start3A_37] : memref<40x128xi32, #tpu.memory_space<vmem>> -> memref<1x128xi32, #tpu.memory_space<vmem>>
    %dma_start3A_39 = tpu.memref_squeeze %dma_start3A_38 : memref<1x128xi32, #tpu.memory_space<vmem>> -> memref<128xi32, #tpu.memory_space<vmem>>
    %dma_start3A_40 = arith.constant 0 : i32
    %dma_start3A_41 = arith.constant 0 : i32
    %dma_start3A_42 = tpu.memref_slice %arg2[%dma_start3A_40, %dma_start3A_41] : memref<10000x128xf32, #tpu.memory_space<hbm>> -> memref<10000x128xf32, #tpu.memory_space<hbm>>
    tpu.enqueue_indirect_dma source(%dma_start3A_42 : memref<10000x128xf32, #tpu.memory_space<hbm>>) target(%arg9 : memref<128x128xf32, #tpu.memory_space<vmem>>) offsets(%dma_start3A_39 : memref<128xi32, #tpu.memory_space<vmem>>) semaphore(%arg12 : memref<!tpu.dma_semaphore, #tpu.memory_space<semaphore_mem>>)
    %scan3A_43 = arith.constant 0 : i32
    %scan3A_44 = arith.constant 0 : i32
    %scan3A_45 = arith.constant 19 : i32
    %scan3A_46 = arith.addi %scan3A_44, %scan3A_45 : i32
    %scan3A_47 = arith.constant 1 : i32
    scf.for %scan3A_161 = %scan3A_44 to %scan3A_46 step %scan3A_47  : i32 {
      %mul3A_162 = arith.constant 2 : i32
      %mul3A_163 = arith.muli %mul3A_162, %scan3A_161 : i32
      %dma_wait3A_164 = arith.constant 0 : i32
      %dma_wait3A_165 = arith.constant 0 : i32
      %dma_wait3A_166 = tpu.memref_slice %arg6[%dma_wait3A_164, %dma_wait3A_165] : memref<40x128xi32, #tpu.memory_space<vmem>> -> memref<1x128xi32, #tpu.memory_space<vmem>>
      %dma_wait3A_167 = tpu.memref_squeeze %dma_wait3A_166 : memref<1x128xi32, #tpu.memory_space<vmem>> -> memref<128xi32, #tpu.memory_space<vmem>>
      %dma_wait3A_168 = arith.constant 0 : i32
      %dma_wait3A_169 = arith.constant 0 : i32
      %dma_wait3A_170 = tpu.memref_slice %arg2[%dma_wait3A_168, %dma_wait3A_169] : memref<10000x128xf32, #tpu.memory_space<hbm>> -> memref<10000x128xf32, #tpu.memory_space<hbm>>
      tpu.wait_indirect_dma semaphore(%arg11 : memref<!tpu.dma_semaphore, #tpu.memory_space<semaphore_mem>>) src(%dma_wait3A_170 : memref<10000x128xf32, #tpu.memory_space<hbm>>) dst(%arg8 : memref<128x128xf32, #tpu.memory_space<vmem>>)
      %add3A_171 = arith.constant 0 : i32
      %add3A_172 = arith.addi %mul3A_163, %add3A_171 : i32
      %dma_start3A_173 = arith.constant 0 : i32
      %dma_start3A_174 = tpu.memref_slice %arg7[%add3A_172, %dma_start3A_173] : memref<40x128xi32, #tpu.memory_space<vmem>> -> memref<1x128xi32, #tpu.memory_space<vmem>>
      %dma_start3A_175 = tpu.memref_squeeze %dma_start3A_174 : memref<1x128xi32, #tpu.memory_space<vmem>> -> memref<128xi32, #tpu.memory_space<vmem>>
      %dma_start3A_176 = arith.constant 0 : i32
      %dma_start3A_177 = arith.constant 0 : i32
      %dma_start3A_178 = tpu.memref_slice %arg10[%dma_start3A_176, %dma_start3A_177] : memref<10112x128xf32, #tpu.memory_space<vmem_shared>> -> memref<10112x128xf32, #tpu.memory_space<vmem_shared>>
      tpu.enqueue_indirect_dma source(%arg8 : memref<128x128xf32, #tpu.memory_space<vmem>>) target(%dma_start3A_178 : memref<10112x128xf32, #tpu.memory_space<vmem_shared>>) offsets(%dma_start3A_175 : memref<128xi32, #tpu.memory_space<vmem>>) semaphore(%arg13 : memref<!tpu.dma_semaphore, #tpu.memory_space<semaphore_mem>>) {add = true}
      %dma_wait3A_179 = arith.constant 0 : i32
      %dma_wait3A_180 = arith.constant 0 : i32
      %dma_wait3A_181 = tpu.memref_slice %arg7[%dma_wait3A_179, %dma_wait3A_180] : memref<40x128xi32, #tpu.memory_space<vmem>> -> memref<1x128xi32, #tpu.memory_space<vmem>>
      %dma_wait3A_182 = tpu.memref_squeeze %dma_wait3A_181 : memref<1x128xi32, #tpu.memory_space<vmem>> -> memref<128xi32, #tpu.memory_space<vmem>>
      %dma_wait3A_183 = arith.constant 0 : i32
      %dma_wait3A_184 = arith.constant 0 : i32
      %dma_wait3A_185 = tpu.memref_slice %arg10[%dma_wait3A_183, %dma_wait3A_184] : memref<10112x128xf32, #tpu.memory_space<vmem_shared>> -> memref<10112x128xf32, #tpu.memory_space<vmem_shared>>
      tpu.wait_indirect_dma semaphore(%arg13 : memref<!tpu.dma_semaphore, #tpu.memory_space<semaphore_mem>>) src(%arg8 : memref<128x128xf32, #tpu.memory_space<vmem>>) dst(%dma_wait3A_185 : memref<10112x128xf32, #tpu.memory_space<vmem_shared>>)
      %add3A_186 = arith.constant 0 : i32
      %add3A_187 = arith.addi %mul3A_163, %add3A_186 : i32
      %add3A_188 = arith.constant 2 : i32
      %add3A_189 = arith.addi %add3A_187, %add3A_188 : i32
      %dma_start3A_190 = arith.constant 0 : i32
      %dma_start3A_191 = tpu.memref_slice %arg6[%add3A_189, %dma_start3A_190] : memref<40x128xi32, #tpu.memory_space<vmem>> -> memref<1x128xi32, #tpu.memory_space<vmem>>
      %dma_start3A_192 = tpu.memref_squeeze %dma_start3A_191 : memref<1x128xi32, #tpu.memory_space<vmem>> -> memref<128xi32, #tpu.memory_space<vmem>>
      %dma_start3A_193 = arith.constant 0 : i32
      %dma_start3A_194 = arith.constant 0 : i32
      %dma_start3A_195 = tpu.memref_slice %arg2[%dma_start3A_193, %dma_start3A_194] : memref<10000x128xf32, #tpu.memory_space<hbm>> -> memref<10000x128xf32, #tpu.memory_space<hbm>>
      tpu.enqueue_indirect_dma source(%dma_start3A_195 : memref<10000x128xf32, #tpu.memory_space<hbm>>) target(%arg8 : memref<128x128xf32, #tpu.memory_space<vmem>>) offsets(%dma_start3A_192 : memref<128xi32, #tpu.memory_space<vmem>>) semaphore(%arg11 : memref<!tpu.dma_semaphore, #tpu.memory_space<semaphore_mem>>)
      %dma_wait3A_196 = arith.constant 0 : i32
      %dma_wait3A_197 = arith.constant 0 : i32
      %dma_wait3A_198 = tpu.memref_slice %arg6[%dma_wait3A_196, %dma_wait3A_197] : memref<40x128xi32, #tpu.memory_space<vmem>> -> memref<1x128xi32, #tpu.memory_space<vmem>>
      %dma_wait3A_199 = tpu.memref_squeeze %dma_wait3A_198 : memref<1x128xi32, #tpu.memory_space<vmem>> -> memref<128xi32, #tpu.memory_space<vmem>>
      %dma_wait3A_200 = arith.constant 0 : i32
      %dma_wait3A_201 = arith.constant 0 : i32
      %dma_wait3A_202 = tpu.memref_slice %arg2[%dma_wait3A_200, %dma_wait3A_201] : memref<10000x128xf32, #tpu.memory_space<hbm>> -> memref<10000x128xf32, #tpu.memory_space<hbm>>
      tpu.wait_indirect_dma semaphore(%arg12 : memref<!tpu.dma_semaphore, #tpu.memory_space<semaphore_mem>>) src(%dma_wait3A_202 : memref<10000x128xf32, #tpu.memory_space<hbm>>) dst(%arg9 : memref<128x128xf32, #tpu.memory_space<vmem>>)
      %add3A_203 = arith.constant 1 : i32
      %add3A_204 = arith.addi %mul3A_163, %add3A_203 : i32
      %dma_start3A_205 = arith.constant 0 : i32
      %dma_start3A_206 = tpu.memref_slice %arg7[%add3A_204, %dma_start3A_205] : memref<40x128xi32, #tpu.memory_space<vmem>> -> memref<1x128xi32, #tpu.memory_space<vmem>>
      %dma_start3A_207 = tpu.memref_squeeze %dma_start3A_206 : memref<1x128xi32, #tpu.memory_space<vmem>> -> memref<128xi32, #tpu.memory_space<vmem>>
      %dma_start3A_208 = arith.constant 0 : i32
      %dma_start3A_209 = arith.constant 0 : i32
      %dma_start3A_210 = tpu.memref_slice %arg10[%dma_start3A_208, %dma_start3A_209] : memref<10112x128xf32, #tpu.memory_space<vmem_shared>> -> memref<10112x128xf32, #tpu.memory_space<vmem_shared>>
      tpu.enqueue_indirect_dma source(%arg9 : memref<128x128xf32, #tpu.memory_space<vmem>>) target(%dma_start3A_210 : memref<10112x128xf32, #tpu.memory_space<vmem_shared>>) offsets(%dma_start3A_207 : memref<128xi32, #tpu.memory_space<vmem>>) semaphore(%arg14 : memref<!tpu.dma_semaphore, #tpu.memory_space<semaphore_mem>>) {add = true}
      %dma_wait3A_211 = arith.constant 0 : i32
      %dma_wait3A_212 = arith.constant 0 : i32
      %dma_wait3A_213 = tpu.memref_slice %arg7[%dma_wait3A_211, %dma_wait3A_212] : memref<40x128xi32, #tpu.memory_space<vmem>> -> memref<1x128xi32, #tpu.memory_space<vmem>>
      %dma_wait3A_214 = tpu.memref_squeeze %dma_wait3A_213 : memref<1x128xi32, #tpu.memory_space<vmem>> -> memref<128xi32, #tpu.memory_space<vmem>>
      %dma_wait3A_215 = arith.constant 0 : i32
      %dma_wait3A_216 = arith.constant 0 : i32
      %dma_wait3A_217 = tpu.memref_slice %arg10[%dma_wait3A_215, %dma_wait3A_216] : memref<10112x128xf32, #tpu.memory_space<vmem_shared>> -> memref<10112x128xf32, #tpu.memory_space<vmem_shared>>
      tpu.wait_indirect_dma semaphore(%arg14 : memref<!tpu.dma_semaphore, #tpu.memory_space<semaphore_mem>>) src(%arg9 : memref<128x128xf32, #tpu.memory_space<vmem>>) dst(%dma_wait3A_217 : memref<10112x128xf32, #tpu.memory_space<vmem_shared>>)
      %add3A_218 = arith.constant 1 : i32
      %add3A_219 = arith.addi %mul3A_163, %add3A_218 : i32
      %add3A_220 = arith.constant 2 : i32
      %add3A_221 = arith.addi %add3A_219, %add3A_220 : i32
      %dma_start3A_222 = arith.constant 0 : i32
      %dma_start3A_223 = tpu.memref_slice %arg6[%add3A_221, %dma_start3A_222] : memref<40x128xi32, #tpu.memory_space<vmem>> -> memref<1x128xi32, #tpu.memory_space<vmem>>
      %dma_start3A_224 = tpu.memref_squeeze %dma_start3A_223 : memref<1x128xi32, #tpu.memory_space<vmem>> -> memref<128xi32, #tpu.memory_space<vmem>>
      %dma_start3A_225 = arith.constant 0 : i32
      %dma_start3A_226 = arith.constant 0 : i32
      %dma_start3A_227 = tpu.memref_slice %arg2[%dma_start3A_225, %dma_start3A_226] : memref<10000x128xf32, #tpu.memory_space<hbm>> -> memref<10000x128xf32, #tpu.memory_space<hbm>>
      tpu.enqueue_indirect_dma source(%dma_start3A_227 : memref<10000x128xf32, #tpu.memory_space<hbm>>) target(%arg9 : memref<128x128xf32, #tpu.memory_space<vmem>>) offsets(%dma_start3A_224 : memref<128xi32, #tpu.memory_space<vmem>>) semaphore(%arg12 : memref<!tpu.dma_semaphore, #tpu.memory_space<semaphore_mem>>)
    }
    %scan3A_48 = arith.constant 19 : i32
    %dma_wait3A = arith.constant 0 : i32
    %dma_wait3A_49 = arith.constant 0 : i32
    %dma_wait3A_50 = tpu.memref_slice %arg6[%dma_wait3A, %dma_wait3A_49] : memref<40x128xi32, #tpu.memory_space<vmem>> -> memref<1x128xi32, #tpu.memory_space<vmem>>
    %dma_wait3A_51 = tpu.memref_squeeze %dma_wait3A_50 : memref<1x128xi32, #tpu.memory_space<vmem>> -> memref<128xi32, #tpu.memory_space<vmem>>
    %dma_wait3A_52 = arith.constant 0 : i32
    %dma_wait3A_53 = arith.constant 0 : i32
    %dma_wait3A_54 = tpu.memref_slice %arg2[%dma_wait3A_52, %dma_wait3A_53] : memref<10000x128xf32, #tpu.memory_space<hbm>> -> memref<10000x128xf32, #tpu.memory_space<hbm>>
    tpu.wait_indirect_dma semaphore(%arg11 : memref<!tpu.dma_semaphore, #tpu.memory_space<semaphore_mem>>) src(%dma_wait3A_54 : memref<10000x128xf32, #tpu.memory_space<hbm>>) dst(%arg8 : memref<128x128xf32, #tpu.memory_space<vmem>>)
    %dma_start3A_55 = arith.constant 38 : i32
    %dma_start3A_56 = arith.constant 0 : i32
    %dma_start3A_57 = tpu.memref_slice %arg7[%dma_start3A_55, %dma_start3A_56] : memref<40x128xi32, #tpu.memory_space<vmem>> -> memref<1x128xi32, #tpu.memory_space<vmem>>
    %dma_start3A_58 = tpu.memref_squeeze %dma_start3A_57 : memref<1x128xi32, #tpu.memory_space<vmem>> -> memref<128xi32, #tpu.memory_space<vmem>>
    %dma_start3A_59 = arith.constant 0 : i32
    %dma_start3A_60 = arith.constant 0 : i32
    %dma_start3A_61 = tpu.memref_slice %arg10[%dma_start3A_59, %dma_start3A_60] : memref<10112x128xf32, #tpu.memory_space<vmem_shared>> -> memref<10112x128xf32, #tpu.memory_space<vmem_shared>>
    tpu.enqueue_indirect_dma source(%arg8 : memref<128x128xf32, #tpu.memory_space<vmem>>) target(%dma_start3A_61 : memref<10112x128xf32, #tpu.memory_space<vmem_shared>>) offsets(%dma_start3A_58 : memref<128xi32, #tpu.memory_space<vmem>>) semaphore(%arg13 : memref<!tpu.dma_semaphore, #tpu.memory_space<semaphore_mem>>) {add = true}
    %dma_wait3A_62 = arith.constant 0 : i32
    %dma_wait3A_63 = arith.constant 0 : i32
    %dma_wait3A_64 = tpu.memref_slice %arg6[%dma_wait3A_62, %dma_wait3A_63] : memref<40x128xi32, #tpu.memory_space<vmem>> -> memref<1x128xi32, #tpu.memory_space<vmem>>
    %dma_wait3A_65 = tpu.memref_squeeze %dma_wait3A_64 : memref<1x128xi32, #tpu.memory_space<vmem>> -> memref<128xi32, #tpu.memory_space<vmem>>
    %dma_wait3A_66 = arith.constant 0 : i32
    %dma_wait3A_67 = arith.constant 0 : i32
    %dma_wait3A_68 = tpu.memref_slice %arg2[%dma_wait3A_66, %dma_wait3A_67] : memref<10000x128xf32, #tpu.memory_space<hbm>> -> memref<10000x128xf32, #tpu.memory_space<hbm>>
    tpu.wait_indirect_dma semaphore(%arg12 : memref<!tpu.dma_semaphore, #tpu.memory_space<semaphore_mem>>) src(%dma_wait3A_68 : memref<10000x128xf32, #tpu.memory_space<hbm>>) dst(%arg9 : memref<128x128xf32, #tpu.memory_space<vmem>>)
    %dma_start3A_69 = arith.constant 39 : i32
    %dma_start3A_70 = arith.constant 0 : i32
    %dma_start3A_71 = tpu.memref_slice %arg7[%dma_start3A_69, %dma_start3A_70] : memref<40x128xi32, #tpu.memory_space<vmem>> -> memref<1x128xi32, #tpu.memory_space<vmem>>
    %dma_start3A_72 = tpu.memref_squeeze %dma_start3A_71 : memref<1x128xi32, #tpu.memory_space<vmem>> -> memref<128xi32, #tpu.memory_space<vmem>>
    %dma_start3A_73 = arith.constant 0 : i32
    %dma_start3A_74 = arith.constant 0 : i32
    %dma_start3A_75 = tpu.memref_slice %arg10[%dma_start3A_73, %dma_start3A_74] : memref<10112x128xf32, #tpu.memory_space<vmem_shared>> -> memref<10112x128xf32, #tpu.memory_space<vmem_shared>>
    tpu.enqueue_indirect_dma source(%arg9 : memref<128x128xf32, #tpu.memory_space<vmem>>) target(%dma_start3A_75 : memref<10112x128xf32, #tpu.memory_space<vmem_shared>>) offsets(%dma_start3A_72 : memref<128xi32, #tpu.memory_space<vmem>>) semaphore(%arg14 : memref<!tpu.dma_semaphore, #tpu.memory_space<semaphore_mem>>) {add = true}
    %dma_wait3A_76 = arith.constant 0 : i32
    %dma_wait3A_77 = arith.constant 0 : i32
    %dma_wait3A_78 = tpu.memref_slice %arg7[%dma_wait3A_76, %dma_wait3A_77] : memref<40x128xi32, #tpu.memory_space<vmem>> -> memref<1x128xi32, #tpu.memory_space<vmem>>
    %dma_wait3A_79 = tpu.memref_squeeze %dma_wait3A_78 : memref<1x128xi32, #tpu.memory_space<vmem>> -> memref<128xi32, #tpu.memory_space<vmem>>
    %dma_wait3A_80 = arith.constant 0 : i32
    %dma_wait3A_81 = arith.constant 0 : i32
    %dma_wait3A_82 = tpu.memref_slice %arg10[%dma_wait3A_80, %dma_wait3A_81] : memref<10112x128xf32, #tpu.memory_space<vmem_shared>> -> memref<10112x128xf32, #tpu.memory_space<vmem_shared>>
    tpu.wait_indirect_dma semaphore(%arg13 : memref<!tpu.dma_semaphore, #tpu.memory_space<semaphore_mem>>) src(%arg8 : memref<128x128xf32, #tpu.memory_space<vmem>>) dst(%dma_wait3A_82 : memref<10112x128xf32, #tpu.memory_space<vmem_shared>>)
    %dma_wait3A_83 = arith.constant 0 : i32
    %dma_wait3A_84 = arith.constant 0 : i32
    %dma_wait3A_85 = tpu.memref_slice %arg7[%dma_wait3A_83, %dma_wait3A_84] : memref<40x128xi32, #tpu.memory_space<vmem>> -> memref<1x128xi32, #tpu.memory_space<vmem>>
    %dma_wait3A_86 = tpu.memref_squeeze %dma_wait3A_85 : memref<1x128xi32, #tpu.memory_space<vmem>> -> memref<128xi32, #tpu.memory_space<vmem>>
    %dma_wait3A_87 = arith.constant 0 : i32
    %dma_wait3A_88 = arith.constant 0 : i32
    %dma_wait3A_89 = tpu.memref_slice %arg10[%dma_wait3A_87, %dma_wait3A_88] : memref<10112x128xf32, #tpu.memory_space<vmem_shared>> -> memref<10112x128xf32, #tpu.memory_space<vmem_shared>>
    tpu.wait_indirect_dma semaphore(%arg14 : memref<!tpu.dma_semaphore, #tpu.memory_space<semaphore_mem>>) src(%arg9 : memref<128x128xf32, #tpu.memory_space<vmem>>) dst(%dma_wait3A_89 : memref<10112x128xf32, #tpu.memory_space<vmem_shared>>)
    %mul3A_90 = arith.constant 80 : i32
    %mul3A_91 = arith.muli %add3A, %mul3A_90 : i32
    %add3A_92 = arith.constant 40 : i32
    %add3A_93 = arith.addi %mul3A_91, %add3A_92 : i32
    "tpu.region"() ({
      %run_scoped3A = tpu.sem_alloc : memref<!tpu.dma_semaphore, #tpu.memory_space<semaphore_mem>>
      %dma_start3A_161 = arith.constant 0 : i32
      %dma_start3A_162 = tpu.memref_slice %arg3[%add3A_93, %dma_start3A_161] : memref<2560x128xi32, #tpu.memory_space<hbm>> -> memref<40x128xi32, #tpu.memory_space<hbm>>
      %dma_start3A_163 = arith.constant 0 : i32
      %dma_start3A_164 = tpu.memref_slice %arg3[%add3A_93, %dma_start3A_163] : memref<2560x128xi32, #tpu.memory_space<hbm>> -> memref<40x128xi32, #tpu.memory_space<hbm>>
      tpu.enqueue_dma source(%dma_start3A_164 : memref<40x128xi32, #tpu.memory_space<hbm>>) target(%arg6 : memref<40x128xi32, #tpu.memory_space<vmem>>) target_semaphore(%run_scoped3A : memref<!tpu.dma_semaphore, #tpu.memory_space<semaphore_mem>>)
      %dma_wait3A_165 = arith.constant 0 : i32
      %dma_wait3A_166 = tpu.memref_slice %arg3[%add3A_93, %dma_wait3A_165] : memref<2560x128xi32, #tpu.memory_space<hbm>> -> memref<40x128xi32, #tpu.memory_space<hbm>>
      %dma_wait3A_167 = arith.constant 0 : i32
      %dma_wait3A_168 = tpu.memref_slice %arg3[%add3A_93, %dma_wait3A_167] : memref<2560x128xi32, #tpu.memory_space<hbm>> -> memref<40x128xi32, #tpu.memory_space<hbm>>
      tpu.wait_dma2 semaphore(%run_scoped3A : memref<!tpu.dma_semaphore, #tpu.memory_space<semaphore_mem>>) src(%dma_wait3A_168 : memref<40x128xi32, #tpu.memory_space<hbm>>) dst(%arg6 : memref<40x128xi32, #tpu.memory_space<vmem>>)
      tpu.yield
    }) : () -> ()
    "tpu.region"() ({
      %run_scoped3A = tpu.sem_alloc : memref<!tpu.dma_semaphore, #tpu.memory_space<semaphore_mem>>
      %dma_start3A_161 = arith.constant 0 : i32
      %dma_start3A_162 = tpu.memref_slice %arg4[%add3A_93, %dma_start3A_161] : memref<2560x128xi32, #tpu.memory_space<hbm>> -> memref<40x128xi32, #tpu.memory_space<hbm>>
      %dma_start3A_163 = arith.constant 0 : i32
      %dma_start3A_164 = tpu.memref_slice %arg4[%add3A_93, %dma_start3A_163] : memref<2560x128xi32, #tpu.memory_space<hbm>> -> memref<40x128xi32, #tpu.memory_space<hbm>>
      tpu.enqueue_dma source(%dma_start3A_164 : memref<40x128xi32, #tpu.memory_space<hbm>>) target(%arg7 : memref<40x128xi32, #tpu.memory_space<vmem>>) target_semaphore(%run_scoped3A : memref<!tpu.dma_semaphore, #tpu.memory_space<semaphore_mem>>)
      %dma_wait3A_165 = arith.constant 0 : i32
      %dma_wait3A_166 = tpu.memref_slice %arg4[%add3A_93, %dma_wait3A_165] : memref<2560x128xi32, #tpu.memory_space<hbm>> -> memref<40x128xi32, #tpu.memory_space<hbm>>
      %dma_wait3A_167 = arith.constant 0 : i32
      %dma_wait3A_168 = tpu.memref_slice %arg4[%add3A_93, %dma_wait3A_167] : memref<2560x128xi32, #tpu.memory_space<hbm>> -> memref<40x128xi32, #tpu.memory_space<hbm>>
      tpu.wait_dma2 semaphore(%run_scoped3A : memref<!tpu.dma_semaphore, #tpu.memory_space<semaphore_mem>>) src(%dma_wait3A_168 : memref<40x128xi32, #tpu.memory_space<hbm>>) dst(%arg7 : memref<40x128xi32, #tpu.memory_space<vmem>>)
      tpu.yield
    }) : () -> ()
    %dma_start3A_94 = arith.constant 0 : i32
    %dma_start3A_95 = arith.constant 0 : i32
    %dma_start3A_96 = tpu.memref_slice %arg6[%dma_start3A_94, %dma_start3A_95] : memref<40x128xi32, #tpu.memory_space<vmem>> -> memref<1x128xi32, #tpu.memory_space<vmem>>
    %dma_start3A_97 = tpu.memref_squeeze %dma_start3A_96 : memref<1x128xi32, #tpu.memory_space<vmem>> -> memref<128xi32, #tpu.memory_space<vmem>>
    %dma_start3A_98 = arith.constant 0 : i32
    %dma_start3A_99 = arith.constant 0 : i32
    %dma_start3A_100 = tpu.memref_slice %arg2[%dma_start3A_98, %dma_start3A_99] : memref<10000x128xf32, #tpu.memory_space<hbm>> -> memref<10000x128xf32, #tpu.memory_space<hbm>>
    tpu.enqueue_indirect_dma source(%dma_start3A_100 : memref<10000x128xf32, #tpu.memory_space<hbm>>) target(%arg8 : memref<128x128xf32, #tpu.memory_space<vmem>>) offsets(%dma_start3A_97 : memref<128xi32, #tpu.memory_space<vmem>>) semaphore(%arg11 : memref<!tpu.dma_semaphore, #tpu.memory_space<semaphore_mem>>)
    %dma_start3A_101 = arith.constant 1 : i32
    %dma_start3A_102 = arith.constant 0 : i32
    %dma_start3A_103 = tpu.memref_slice %arg6[%dma_start3A_101, %dma_start3A_102] : memref<40x128xi32, #tpu.memory_space<vmem>> -> memref<1x128xi32, #tpu.memory_space<vmem>>
    %dma_start3A_104 = tpu.memref_squeeze %dma_start3A_103 : memref<1x128xi32, #tpu.memory_space<vmem>> -> memref<128xi32, #tpu.memory_space<vmem>>
    %dma_start3A_105 = arith.constant 0 : i32
    %dma_start3A_106 = arith.constant 0 : i32
    %dma_start3A_107 = tpu.memref_slice %arg2[%dma_start3A_105, %dma_start3A_106] : memref<10000x128xf32, #tpu.memory_space<hbm>> -> memref<10000x128xf32, #tpu.memory_space<hbm>>
    tpu.enqueue_indirect_dma source(%dma_start3A_107 : memref<10000x128xf32, #tpu.memory_space<hbm>>) target(%arg9 : memref<128x128xf32, #tpu.memory_space<vmem>>) offsets(%dma_start3A_104 : memref<128xi32, #tpu.memory_space<vmem>>) semaphore(%arg12 : memref<!tpu.dma_semaphore, #tpu.memory_space<semaphore_mem>>)
    %scan3A_108 = arith.constant 0 : i32
    %scan3A_109 = arith.constant 0 : i32
    %scan3A_110 = arith.constant 19 : i32
    %scan3A_111 = arith.addi %scan3A_109, %scan3A_110 : i32
    %scan3A_112 = arith.constant 1 : i32
    scf.for %scan3A_161 = %scan3A_109 to %scan3A_111 step %scan3A_112  : i32 {
      %mul3A_162 = arith.constant 2 : i32
      %mul3A_163 = arith.muli %mul3A_162, %scan3A_161 : i32
      %dma_wait3A_164 = arith.constant 0 : i32
      %dma_wait3A_165 = arith.constant 0 : i32
      %dma_wait3A_166 = tpu.memref_slice %arg6[%dma_wait3A_164, %dma_wait3A_165] : memref<40x128xi32, #tpu.memory_space<vmem>> -> memref<1x128xi32, #tpu.memory_space<vmem>>
      %dma_wait3A_167 = tpu.memref_squeeze %dma_wait3A_166 : memref<1x128xi32, #tpu.memory_space<vmem>> -> memref<128xi32, #tpu.memory_space<vmem>>
      %dma_wait3A_168 = arith.constant 0 : i32
      %dma_wait3A_169 = arith.constant 0 : i32
      %dma_wait3A_170 = tpu.memref_slice %arg2[%dma_wait3A_168, %dma_wait3A_169] : memref<10000x128xf32, #tpu.memory_space<hbm>> -> memref<10000x128xf32, #tpu.memory_space<hbm>>
      tpu.wait_indirect_dma semaphore(%arg11 : memref<!tpu.dma_semaphore, #tpu.memory_space<semaphore_mem>>) src(%dma_wait3A_170 : memref<10000x128xf32, #tpu.memory_space<hbm>>) dst(%arg8 : memref<128x128xf32, #tpu.memory_space<vmem>>)
      %add3A_171 = arith.constant 0 : i32
      %add3A_172 = arith.addi %mul3A_163, %add3A_171 : i32
      %dma_start3A_173 = arith.constant 0 : i32
      %dma_start3A_174 = tpu.memref_slice %arg7[%add3A_172, %dma_start3A_173] : memref<40x128xi32, #tpu.memory_space<vmem>> -> memref<1x128xi32, #tpu.memory_space<vmem>>
      %dma_start3A_175 = tpu.memref_squeeze %dma_start3A_174 : memref<1x128xi32, #tpu.memory_space<vmem>> -> memref<128xi32, #tpu.memory_space<vmem>>
      %dma_start3A_176 = arith.constant 0 : i32
      %dma_start3A_177 = arith.constant 0 : i32
      %dma_start3A_178 = tpu.memref_slice %arg10[%dma_start3A_176, %dma_start3A_177] : memref<10112x128xf32, #tpu.memory_space<vmem_shared>> -> memref<10112x128xf32, #tpu.memory_space<vmem_shared>>
      tpu.enqueue_indirect_dma source(%arg8 : memref<128x128xf32, #tpu.memory_space<vmem>>) target(%dma_start3A_178 : memref<10112x128xf32, #tpu.memory_space<vmem_shared>>) offsets(%dma_start3A_175 : memref<128xi32, #tpu.memory_space<vmem>>) semaphore(%arg13 : memref<!tpu.dma_semaphore, #tpu.memory_space<semaphore_mem>>) {add = true}
      %dma_wait3A_179 = arith.constant 0 : i32
      %dma_wait3A_180 = arith.constant 0 : i32
      %dma_wait3A_181 = tpu.memref_slice %arg7[%dma_wait3A_179, %dma_wait3A_180] : memref<40x128xi32, #tpu.memory_space<vmem>> -> memref<1x128xi32, #tpu.memory_space<vmem>>
      %dma_wait3A_182 = tpu.memref_squeeze %dma_wait3A_181 : memref<1x128xi32, #tpu.memory_space<vmem>> -> memref<128xi32, #tpu.memory_space<vmem>>
      %dma_wait3A_183 = arith.constant 0 : i32
      %dma_wait3A_184 = arith.constant 0 : i32
      %dma_wait3A_185 = tpu.memref_slice %arg10[%dma_wait3A_183, %dma_wait3A_184] : memref<10112x128xf32, #tpu.memory_space<vmem_shared>> -> memref<10112x128xf32, #tpu.memory_space<vmem_shared>>
      tpu.wait_indirect_dma semaphore(%arg13 : memref<!tpu.dma_semaphore, #tpu.memory_space<semaphore_mem>>) src(%arg8 : memref<128x128xf32, #tpu.memory_space<vmem>>) dst(%dma_wait3A_185 : memref<10112x128xf32, #tpu.memory_space<vmem_shared>>)
      %add3A_186 = arith.constant 0 : i32
      %add3A_187 = arith.addi %mul3A_163, %add3A_186 : i32
      %add3A_188 = arith.constant 2 : i32
      %add3A_189 = arith.addi %add3A_187, %add3A_188 : i32
      %dma_start3A_190 = arith.constant 0 : i32
      %dma_start3A_191 = tpu.memref_slice %arg6[%add3A_189, %dma_start3A_190] : memref<40x128xi32, #tpu.memory_space<vmem>> -> memref<1x128xi32, #tpu.memory_space<vmem>>
      %dma_start3A_192 = tpu.memref_squeeze %dma_start3A_191 : memref<1x128xi32, #tpu.memory_space<vmem>> -> memref<128xi32, #tpu.memory_space<vmem>>
      %dma_start3A_193 = arith.constant 0 : i32
      %dma_start3A_194 = arith.constant 0 : i32
      %dma_start3A_195 = tpu.memref_slice %arg2[%dma_start3A_193, %dma_start3A_194] : memref<10000x128xf32, #tpu.memory_space<hbm>> -> memref<10000x128xf32, #tpu.memory_space<hbm>>
      tpu.enqueue_indirect_dma source(%dma_start3A_195 : memref<10000x128xf32, #tpu.memory_space<hbm>>) target(%arg8 : memref<128x128xf32, #tpu.memory_space<vmem>>) offsets(%dma_start3A_192 : memref<128xi32, #tpu.memory_space<vmem>>) semaphore(%arg11 : memref<!tpu.dma_semaphore, #tpu.memory_space<semaphore_mem>>)
      %dma_wait3A_196 = arith.constant 0 : i32
      %dma_wait3A_197 = arith.constant 0 : i32
      %dma_wait3A_198 = tpu.memref_slice %arg6[%dma_wait3A_196, %dma_wait3A_197] : memref<40x128xi32, #tpu.memory_space<vmem>> -> memref<1x128xi32, #tpu.memory_space<vmem>>
      %dma_wait3A_199 = tpu.memref_squeeze %dma_wait3A_198 : memref<1x128xi32, #tpu.memory_space<vmem>> -> memref<128xi32, #tpu.memory_space<vmem>>
      %dma_wait3A_200 = arith.constant 0 : i32
      %dma_wait3A_201 = arith.constant 0 : i32
      %dma_wait3A_202 = tpu.memref_slice %arg2[%dma_wait3A_200, %dma_wait3A_201] : memref<10000x128xf32, #tpu.memory_space<hbm>> -> memref<10000x128xf32, #tpu.memory_space<hbm>>
      tpu.wait_indirect_dma semaphore(%arg12 : memref<!tpu.dma_semaphore, #tpu.memory_space<semaphore_mem>>) src(%dma_wait3A_202 : memref<10000x128xf32, #tpu.memory_space<hbm>>) dst(%arg9 : memref<128x128xf32, #tpu.memory_space<vmem>>)
      %add3A_203 = arith.constant 1 : i32
      %add3A_204 = arith.addi %mul3A_163, %add3A_203 : i32
      %dma_start3A_205 = arith.constant 0 : i32
      %dma_start3A_206 = tpu.memref_slice %arg7[%add3A_204, %dma_start3A_205] : memref<40x128xi32, #tpu.memory_space<vmem>> -> memref<1x128xi32, #tpu.memory_space<vmem>>
      %dma_start3A_207 = tpu.memref_squeeze %dma_start3A_206 : memref<1x128xi32, #tpu.memory_space<vmem>> -> memref<128xi32, #tpu.memory_space<vmem>>
      %dma_start3A_208 = arith.constant 0 : i32
      %dma_start3A_209 = arith.constant 0 : i32
      %dma_start3A_210 = tpu.memref_slice %arg10[%dma_start3A_208, %dma_start3A_209] : memref<10112x128xf32, #tpu.memory_space<vmem_shared>> -> memref<10112x128xf32, #tpu.memory_space<vmem_shared>>
      tpu.enqueue_indirect_dma source(%arg9 : memref<128x128xf32, #tpu.memory_space<vmem>>) target(%dma_start3A_210 : memref<10112x128xf32, #tpu.memory_space<vmem_shared>>) offsets(%dma_start3A_207 : memref<128xi32, #tpu.memory_space<vmem>>) semaphore(%arg14 : memref<!tpu.dma_semaphore, #tpu.memory_space<semaphore_mem>>) {add = true}
      %dma_wait3A_211 = arith.constant 0 : i32
      %dma_wait3A_212 = arith.constant 0 : i32
      %dma_wait3A_213 = tpu.memref_slice %arg7[%dma_wait3A_211, %dma_wait3A_212] : memref<40x128xi32, #tpu.memory_space<vmem>> -> memref<1x128xi32, #tpu.memory_space<vmem>>
      %dma_wait3A_214 = tpu.memref_squeeze %dma_wait3A_213 : memref<1x128xi32, #tpu.memory_space<vmem>> -> memref<128xi32, #tpu.memory_space<vmem>>
      %dma_wait3A_215 = arith.constant 0 : i32
      %dma_wait3A_216 = arith.constant 0 : i32
      %dma_wait3A_217 = tpu.memref_slice %arg10[%dma_wait3A_215, %dma_wait3A_216] : memref<10112x128xf32, #tpu.memory_space<vmem_shared>> -> memref<10112x128xf32, #tpu.memory_space<vmem_shared>>
      tpu.wait_indirect_dma semaphore(%arg14 : memref<!tpu.dma_semaphore, #tpu.memory_space<semaphore_mem>>) src(%arg9 : memref<128x128xf32, #tpu.memory_space<vmem>>) dst(%dma_wait3A_217 : memref<10112x128xf32, #tpu.memory_space<vmem_shared>>)
      %add3A_218 = arith.constant 1 : i32
      %add3A_219 = arith.addi %mul3A_163, %add3A_218 : i32
      %add3A_220 = arith.constant 2 : i32
      %add3A_221 = arith.addi %add3A_219, %add3A_220 : i32
      %dma_start3A_222 = arith.constant 0 : i32
      %dma_start3A_223 = tpu.memref_slice %arg6[%add3A_221, %dma_start3A_222] : memref<40x128xi32, #tpu.memory_space<vmem>> -> memref<1x128xi32, #tpu.memory_space<vmem>>
      %dma_start3A_224 = tpu.memref_squeeze %dma_start3A_223 : memref<1x128xi32, #tpu.memory_space<vmem>> -> memref<128xi32, #tpu.memory_space<vmem>>
      %dma_start3A_225 = arith.constant 0 : i32
      %dma_start3A_226 = arith.constant 0 : i32
      %dma_start3A_227 = tpu.memref_slice %arg2[%dma_start3A_225, %dma_start3A_226] : memref<10000x128xf32, #tpu.memory_space<hbm>> -> memref<10000x128xf32, #tpu.memory_space<hbm>>
      tpu.enqueue_indirect_dma source(%dma_start3A_227 : memref<10000x128xf32, #tpu.memory_space<hbm>>) target(%arg9 : memref<128x128xf32, #tpu.memory_space<vmem>>) offsets(%dma_start3A_224 : memref<128xi32, #tpu.memory_space<vmem>>) semaphore(%arg12 : memref<!tpu.dma_semaphore, #tpu.memory_space<semaphore_mem>>)
    }
    %scan3A_113 = arith.constant 19 : i32
    %dma_wait3A_114 = arith.constant 0 : i32
    %dma_wait3A_115 = arith.constant 0 : i32
    %dma_wait3A_116 = tpu.memref_slice %arg6[%dma_wait3A_114, %dma_wait3A_115] : memref<40x128xi32, #tpu.memory_space<vmem>> -> memref<1x128xi32, #tpu.memory_space<vmem>>
    %dma_wait3A_117 = tpu.memref_squeeze %dma_wait3A_116 : memref<1x128xi32, #tpu.memory_space<vmem>> -> memref<128xi32, #tpu.memory_space<vmem>>
    %dma_wait3A_118 = arith.constant 0 : i32
    %dma_wait3A_119 = arith.constant 0 : i32
    %dma_wait3A_120 = tpu.memref_slice %arg2[%dma_wait3A_118, %dma_wait3A_119] : memref<10000x128xf32, #tpu.memory_space<hbm>> -> memref<10000x128xf32, #tpu.memory_space<hbm>>
    tpu.wait_indirect_dma semaphore(%arg11 : memref<!tpu.dma_semaphore, #tpu.memory_space<semaphore_mem>>) src(%dma_wait3A_120 : memref<10000x128xf32, #tpu.memory_space<hbm>>) dst(%arg8 : memref<128x128xf32, #tpu.memory_space<vmem>>)
    %dma_start3A_121 = arith.constant 38 : i32
    %dma_start3A_122 = arith.constant 0 : i32
    %dma_start3A_123 = tpu.memref_slice %arg7[%dma_start3A_121, %dma_start3A_122] : memref<40x128xi32, #tpu.memory_space<vmem>> -> memref<1x128xi32, #tpu.memory_space<vmem>>
    %dma_start3A_124 = tpu.memref_squeeze %dma_start3A_123 : memref<1x128xi32, #tpu.memory_space<vmem>> -> memref<128xi32, #tpu.memory_space<vmem>>
    %dma_start3A_125 = arith.constant 0 : i32
    %dma_start3A_126 = arith.constant 0 : i32
    %dma_start3A_127 = tpu.memref_slice %arg10[%dma_start3A_125, %dma_start3A_126] : memref<10112x128xf32, #tpu.memory_space<vmem_shared>> -> memref<10112x128xf32, #tpu.memory_space<vmem_shared>>
    tpu.enqueue_indirect_dma source(%arg8 : memref<128x128xf32, #tpu.memory_space<vmem>>) target(%dma_start3A_127 : memref<10112x128xf32, #tpu.memory_space<vmem_shared>>) offsets(%dma_start3A_124 : memref<128xi32, #tpu.memory_space<vmem>>) semaphore(%arg13 : memref<!tpu.dma_semaphore, #tpu.memory_space<semaphore_mem>>) {add = true}
    %dma_wait3A_128 = arith.constant 0 : i32
    %dma_wait3A_129 = arith.constant 0 : i32
    %dma_wait3A_130 = tpu.memref_slice %arg6[%dma_wait3A_128, %dma_wait3A_129] : memref<40x128xi32, #tpu.memory_space<vmem>> -> memref<1x128xi32, #tpu.memory_space<vmem>>
    %dma_wait3A_131 = tpu.memref_squeeze %dma_wait3A_130 : memref<1x128xi32, #tpu.memory_space<vmem>> -> memref<128xi32, #tpu.memory_space<vmem>>
    %dma_wait3A_132 = arith.constant 0 : i32
    %dma_wait3A_133 = arith.constant 0 : i32
    %dma_wait3A_134 = tpu.memref_slice %arg2[%dma_wait3A_132, %dma_wait3A_133] : memref<10000x128xf32, #tpu.memory_space<hbm>> -> memref<10000x128xf32, #tpu.memory_space<hbm>>
    tpu.wait_indirect_dma semaphore(%arg12 : memref<!tpu.dma_semaphore, #tpu.memory_space<semaphore_mem>>) src(%dma_wait3A_134 : memref<10000x128xf32, #tpu.memory_space<hbm>>) dst(%arg9 : memref<128x128xf32, #tpu.memory_space<vmem>>)
    %dma_start3A_135 = arith.constant 39 : i32
    %dma_start3A_136 = arith.constant 0 : i32
    %dma_start3A_137 = tpu.memref_slice %arg7[%dma_start3A_135, %dma_start3A_136] : memref<40x128xi32, #tpu.memory_space<vmem>> -> memref<1x128xi32, #tpu.memory_space<vmem>>
    %dma_start3A_138 = tpu.memref_squeeze %dma_start3A_137 : memref<1x128xi32, #tpu.memory_space<vmem>> -> memref<128xi32, #tpu.memory_space<vmem>>
    %dma_start3A_139 = arith.constant 0 : i32
    %dma_start3A_140 = arith.constant 0 : i32
    %dma_start3A_141 = tpu.memref_slice %arg10[%dma_start3A_139, %dma_start3A_140] : memref<10112x128xf32, #tpu.memory_space<vmem_shared>> -> memref<10112x128xf32, #tpu.memory_space<vmem_shared>>
    tpu.enqueue_indirect_dma source(%arg9 : memref<128x128xf32, #tpu.memory_space<vmem>>) target(%dma_start3A_141 : memref<10112x128xf32, #tpu.memory_space<vmem_shared>>) offsets(%dma_start3A_138 : memref<128xi32, #tpu.memory_space<vmem>>) semaphore(%arg14 : memref<!tpu.dma_semaphore, #tpu.memory_space<semaphore_mem>>) {add = true}
    %dma_wait3A_142 = arith.constant 0 : i32
    %dma_wait3A_143 = arith.constant 0 : i32
    %dma_wait3A_144 = tpu.memref_slice %arg7[%dma_wait3A_142, %dma_wait3A_143] : memref<40x128xi32, #tpu.memory_space<vmem>> -> memref<1x128xi32, #tpu.memory_space<vmem>>
    %dma_wait3A_145 = tpu.memref_squeeze %dma_wait3A_144 : memref<1x128xi32, #tpu.memory_space<vmem>> -> memref<128xi32, #tpu.memory_space<vmem>>
    %dma_wait3A_146 = arith.constant 0 : i32
    %dma_wait3A_147 = arith.constant 0 : i32
    %dma_wait3A_148 = tpu.memref_slice %arg10[%dma_wait3A_146, %dma_wait3A_147] : memref<10112x128xf32, #tpu.memory_space<vmem_shared>> -> memref<10112x128xf32, #tpu.memory_space<vmem_shared>>
    tpu.wait_indirect_dma semaphore(%arg13 : memref<!tpu.dma_semaphore, #tpu.memory_space<semaphore_mem>>) src(%arg8 : memref<128x128xf32, #tpu.memory_space<vmem>>) dst(%dma_wait3A_148 : memref<10112x128xf32, #tpu.memory_space<vmem_shared>>)
    %dma_wait3A_149 = arith.constant 0 : i32
    %dma_wait3A_150 = arith.constant 0 : i32
    %dma_wait3A_151 = tpu.memref_slice %arg7[%dma_wait3A_149, %dma_wait3A_150] : memref<40x128xi32, #tpu.memory_space<vmem>> -> memref<1x128xi32, #tpu.memory_space<vmem>>
    %dma_wait3A_152 = tpu.memref_squeeze %dma_wait3A_151 : memref<1x128xi32, #tpu.memory_space<vmem>> -> memref<128xi32, #tpu.memory_space<vmem>>
    %dma_wait3A_153 = arith.constant 0 : i32
    %dma_wait3A_154 = arith.constant 0 : i32
    %dma_wait3A_155 = tpu.memref_slice %arg10[%dma_wait3A_153, %dma_wait3A_154] : memref<10112x128xf32, #tpu.memory_space<vmem_shared>> -> memref<10112x128xf32, #tpu.memory_space<vmem_shared>>
    tpu.wait_indirect_dma semaphore(%arg14 : memref<!tpu.dma_semaphore, #tpu.memory_space<semaphore_mem>>) src(%arg9 : memref<128x128xf32, #tpu.memory_space<vmem>>) dst(%dma_wait3A_155 : memref<10112x128xf32, #tpu.memory_space<vmem_shared>>)
    %barrier3A_156 = arith.constant 0 : index
    tpu.barrier barrier_id(%barrier3A_156)
    %mul3A_157 = arith.constant 632 : i32
    %mul3A_158 = arith.muli %arg1, %mul3A_157 : i32
    %mul3A_159 = arith.constant 632 : i32
    %mul3A_160 = arith.muli %arg1, %mul3A_159 : i32
    "tpu.region"() ({
      %run_scoped3A = tpu.sem_alloc : memref<!tpu.dma_semaphore, #tpu.memory_space<semaphore_mem>>
      %dma_start3A_161 = arith.constant 0 : i32
      %dma_start3A_162 = tpu.memref_slice %arg5[%arg0, %mul3A_160, %dma_start3A_161] : memref<2x10112x128xf32, #tpu.memory_space<hbm>> -> memref<1x632x128xf32, #tpu.memory_space<hbm>>
      %dma_start3A_163 = tpu.memref_squeeze %dma_start3A_162 : memref<1x632x128xf32, #tpu.memory_space<hbm>> -> memref<632x128xf32, #tpu.memory_space<hbm>>
      %dma_start3A_164 = arith.constant 0 : i32
      %dma_start3A_165 = tpu.memref_slice %arg10[%mul3A_158, %dma_start3A_164] : memref<10112x128xf32, #tpu.memory_space<vmem_shared>> -> memref<632x128xf32, #tpu.memory_space<vmem_shared>>
      tpu.enqueue_dma source(%dma_start3A_165 : memref<632x128xf32, #tpu.memory_space<vmem_shared>>) target(%dma_start3A_163 : memref<632x128xf32, #tpu.memory_space<hbm>>) target_semaphore(%run_scoped3A : memref<!tpu.dma_semaphore, #tpu.memory_space<semaphore_mem>>)
      %dma_wait3A_166 = arith.constant 0 : i32
      %dma_wait3A_167 = tpu.memref_slice %arg5[%arg0, %mul3A_160, %dma_wait3A_166] : memref<2x10112x128xf32, #tpu.memory_space<hbm>> -> memref<1x632x128xf32, #tpu.memory_space<hbm>>
      %dma_wait3A_168 = tpu.memref_squeeze %dma_wait3A_167 : memref<1x632x128xf32, #tpu.memory_space<hbm>> -> memref<632x128xf32, #tpu.memory_space<hbm>>
      %dma_wait3A_169 = arith.constant 0 : i32
      %dma_wait3A_170 = tpu.memref_slice %arg10[%mul3A_158, %dma_wait3A_169] : memref<10112x128xf32, #tpu.memory_space<vmem_shared>> -> memref<632x128xf32, #tpu.memory_space<vmem_shared>>
      tpu.wait_dma2 semaphore(%run_scoped3A : memref<!tpu.dma_semaphore, #tpu.memory_space<semaphore_mem>>) src(%dma_wait3A_170 : memref<632x128xf32, #tpu.memory_space<vmem_shared>>) dst(%dma_wait3A_168 : memref<632x128xf32, #tpu.memory_space<hbm>>)
      tpu.yield
    }) : () -> ()
    return
  }
}

#map = affine_map<(d0, d1) -> (0, 0)>
#map1 = affine_map<(d0, d1) -> (0, 0, 0)>
module attributes {stable_mosaic.version = 14 : i64} {
  func.func @sc_scatter(%arg0: i32, %arg1: i32, %arg2: memref<10000x64xf32, #tpu.memory_space<hbm>>, %arg3: memref<2560x128xi32, #tpu.memory_space<hbm>>, %arg4: memref<2560x128xi32, #tpu.memory_space<hbm>>, %arg5: memref<2x10112x64xf32, #tpu.memory_space<hbm>>, %arg6: memref<80x128xi32, #tpu.memory_space<vmem>>, %arg7: memref<80x128xi32, #tpu.memory_space<vmem>>, %arg8: memref<128x64xf32, #tpu.memory_space<vmem>>, %arg9: memref<128x64xf32, #tpu.memory_space<vmem>>, %arg10: memref<128x64xf32, #tpu.memory_space<vmem>>, %arg11: memref<128x64xf32, #tpu.memory_space<vmem>>, %arg12: memref<10112x64xf32, #tpu.memory_space<vmem_shared>>, %arg13: memref<!tpu.dma_semaphore, #tpu.memory_space<semaphore_mem>>, %arg14: memref<!tpu.dma_semaphore, #tpu.memory_space<semaphore_mem>>, %arg15: memref<!tpu.dma_semaphore, #tpu.memory_space<semaphore_mem>>, %arg16: memref<!tpu.dma_semaphore, #tpu.memory_space<semaphore_mem>>, %arg17: memref<!tpu.dma_semaphore, #tpu.memory_space<semaphore_mem>>, %arg18: memref<!tpu.dma_semaphore, #tpu.memory_space<semaphore_mem>>, %arg19: memref<!tpu.dma_semaphore, #tpu.memory_space<semaphore_mem>>, %arg20: memref<!tpu.dma_semaphore, #tpu.memory_space<semaphore_mem>>) attributes {dimension_semantics = [#tpu.dimension_semantics<core_parallel>, #tpu.dimension_semantics<subcore_parallel>], iteration_bounds = array<i64: 2, 16>, scalar_prefetch = 0 : i64, scratch_operands = 15 : i64, tpu.core_type = #tpu.core_type<sc_vector_subcore>, window_params = [{transform_indices = #map}, {transform_indices = #map}, {transform_indices = #map}, {transform_indices = #map1}]} {
    %mul3A = arith.constant 16 : i32
    %mul3A_0 = arith.muli %arg0, %mul3A : i32
    %add3A = arith.addi %mul3A_0, %arg1 : i32
    %scan3A = arith.constant 0 : i32
    %scan3A_1 = arith.constant 0 : i32
    %scan3A_2 = arith.constant 128 : i32
    %scan3A_3 = arith.addi %scan3A_1, %scan3A_2 : i32
    %scan3A_4 = arith.constant 1 : i32
    scf.for %scan3A_151 = %scan3A_1 to %scan3A_3 step %scan3A_4  : i32 {
      %broadcast_in_dim3A = arith.constant 0.000000e+00 : f32
      %broadcast_in_dim3A_152 = vector.broadcast %broadcast_in_dim3A : f32 to vector<16xf32>
      %swap3A = arith.index_cast %scan3A_151 : i32 to index
      %swap3A_153 = arith.constant 0 : index
      %swap3A_154 = tpu.vector_load %arg8[%swap3A, %swap3A_153] {strides = array<i32>} : memref<128x64xf32, #tpu.memory_space<vmem>>, vector<1x16xf32>,
      %swap3A_155 = vector.shape_cast %swap3A_154 : vector<1x16xf32> to vector<16xf32>
      %swap3A_156 = vector.shape_cast %broadcast_in_dim3A_152 : vector<16xf32> to vector<1x16xf32>
      tpu.vector_store %arg8[%swap3A, %swap3A_153], %swap3A_156 {strides = array<i32>} : memref<128x64xf32, #tpu.memory_space<vmem>>, vector<1x16xf32>,
      %broadcast_in_dim3A_157 = arith.constant 0.000000e+00 : f32
      %broadcast_in_dim3A_158 = vector.broadcast %broadcast_in_dim3A_157 : f32 to vector<16xf32>
      %swap3A_159 = arith.index_cast %scan3A_151 : i32 to index
      %swap3A_160 = arith.constant 16 : index
      %swap3A_161 = tpu.vector_load %arg8[%swap3A_159, %swap3A_160] {strides = array<i32>} : memref<128x64xf32, #tpu.memory_space<vmem>>, vector<1x16xf32>,
      %swap3A_162 = vector.shape_cast %swap3A_161 : vector<1x16xf32> to vector<16xf32>
      %swap3A_163 = vector.shape_cast %broadcast_in_dim3A_158 : vector<16xf32> to vector<1x16xf32>
      tpu.vector_store %arg8[%swap3A_159, %swap3A_160], %swap3A_163 {strides = array<i32>} : memref<128x64xf32, #tpu.memory_space<vmem>>, vector<1x16xf32>,
      %broadcast_in_dim3A_164 = arith.constant 0.000000e+00 : f32
      %broadcast_in_dim3A_165 = vector.broadcast %broadcast_in_dim3A_164 : f32 to vector<16xf32>
      %swap3A_166 = arith.index_cast %scan3A_151 : i32 to index
      %swap3A_167 = arith.constant 32 : index
      %swap3A_168 = tpu.vector_load %arg8[%swap3A_166, %swap3A_167] {strides = array<i32>} : memref<128x64xf32, #tpu.memory_space<vmem>>, vector<1x16xf32>,
      %swap3A_169 = vector.shape_cast %swap3A_168 : vector<1x16xf32> to vector<16xf32>
      %swap3A_170 = vector.shape_cast %broadcast_in_dim3A_165 : vector<16xf32> to vector<1x16xf32>
      tpu.vector_store %arg8[%swap3A_166, %swap3A_167], %swap3A_170 {strides = array<i32>} : memref<128x64xf32, #tpu.memory_space<vmem>>, vector<1x16xf32>,
      %broadcast_in_dim3A_171 = arith.constant 0.000000e+00 : f32
      %broadcast_in_dim3A_172 = vector.broadcast %broadcast_in_dim3A_171 : f32 to vector<16xf32>
      %swap3A_173 = arith.index_cast %scan3A_151 : i32 to index
      %swap3A_174 = arith.constant 48 : index
      %swap3A_175 = tpu.vector_load %arg8[%swap3A_173, %swap3A_174] {strides = array<i32>} : memref<128x64xf32, #tpu.memory_space<vmem>>, vector<1x16xf32>,
      %swap3A_176 = vector.shape_cast %swap3A_175 : vector<1x16xf32> to vector<16xf32>
      %swap3A_177 = vector.shape_cast %broadcast_in_dim3A_172 : vector<16xf32> to vector<1x16xf32>
      tpu.vector_store %arg8[%swap3A_173, %swap3A_174], %swap3A_177 {strides = array<i32>} : memref<128x64xf32, #tpu.memory_space<vmem>>, vector<1x16xf32>,
    }
    %scan3A_5 = arith.constant 128 : i32
    %mul3A_6 = arith.constant 632 : i32
    %mul3A_7 = arith.muli %arg1, %mul3A_6 : i32
    %add3A_8 = arith.constant 0 : i32
    %add3A_9 = arith.addi %mul3A_7, %add3A_8 : i32
    "tpu.region"() ({
      %run_scoped3A = tpu.sem_alloc : memref<!tpu.dma_semaphore, #tpu.memory_space<semaphore_mem>>
      %dma_start3A_151 = arith.constant 0 : i32
      %dma_start3A_152 = tpu.memref_slice %arg12[%add3A_9, %dma_start3A_151] : memref<10112x64xf32, #tpu.memory_space<vmem_shared>> -> memref<128x64xf32, #tpu.memory_space<vmem_shared>>
      %dma_start3A_153 = arith.constant 0 : i32
      %dma_start3A_154 = tpu.memref_slice %arg12[%add3A_9, %dma_start3A_153] : memref<10112x64xf32, #tpu.memory_space<vmem_shared>> -> memref<128x64xf32, #tpu.memory_space<vmem_shared>>
      tpu.enqueue_dma source(%arg8 : memref<128x64xf32, #tpu.memory_space<vmem>>) target(%dma_start3A_154 : memref<128x64xf32, #tpu.memory_space<vmem_shared>>) target_semaphore(%run_scoped3A : memref<!tpu.dma_semaphore, #tpu.memory_space<semaphore_mem>>)
      %dma_wait3A_155 = arith.constant 0 : i32
      %dma_wait3A_156 = tpu.memref_slice %arg12[%add3A_9, %dma_wait3A_155] : memref<10112x64xf32, #tpu.memory_space<vmem_shared>> -> memref<128x64xf32, #tpu.memory_space<vmem_shared>>
      %dma_wait3A_157 = arith.constant 0 : i32
      %dma_wait3A_158 = tpu.memref_slice %arg12[%add3A_9, %dma_wait3A_157] : memref<10112x64xf32, #tpu.memory_space<vmem_shared>> -> memref<128x64xf32, #tpu.memory_space<vmem_shared>>
      tpu.wait_dma2 semaphore(%run_scoped3A : memref<!tpu.dma_semaphore, #tpu.memory_space<semaphore_mem>>) src(%arg8 : memref<128x64xf32, #tpu.memory_space<vmem>>) dst(%dma_wait3A_158 : memref<128x64xf32, #tpu.memory_space<vmem_shared>>)
      tpu.yield
    }) : () -> ()
    %mul3A_10 = arith.constant 632 : i32
    %mul3A_11 = arith.muli %arg1, %mul3A_10 : i32
    %add3A_12 = arith.constant 128 : i32
    %add3A_13 = arith.addi %mul3A_11, %add3A_12 : i32
    "tpu.region"() ({
      %run_scoped3A = tpu.sem_alloc : memref<!tpu.dma_semaphore, #tpu.memory_space<semaphore_mem>>
      %dma_start3A_151 = arith.constant 0 : i32
      %dma_start3A_152 = tpu.memref_slice %arg12[%add3A_13, %dma_start3A_151] : memref<10112x64xf32, #tpu.memory_space<vmem_shared>> -> memref<128x64xf32, #tpu.memory_space<vmem_shared>>
      %dma_start3A_153 = arith.constant 0 : i32
      %dma_start3A_154 = tpu.memref_slice %arg12[%add3A_13, %dma_start3A_153] : memref<10112x64xf32, #tpu.memory_space<vmem_shared>> -> memref<128x64xf32, #tpu.memory_space<vmem_shared>>
      tpu.enqueue_dma source(%arg8 : memref<128x64xf32, #tpu.memory_space<vmem>>) target(%dma_start3A_154 : memref<128x64xf32, #tpu.memory_space<vmem_shared>>) target_semaphore(%run_scoped3A : memref<!tpu.dma_semaphore, #tpu.memory_space<semaphore_mem>>)
      %dma_wait3A_155 = arith.constant 0 : i32
      %dma_wait3A_156 = tpu.memref_slice %arg12[%add3A_13, %dma_wait3A_155] : memref<10112x64xf32, #tpu.memory_space<vmem_shared>> -> memref<128x64xf32, #tpu.memory_space<vmem_shared>>
      %dma_wait3A_157 = arith.constant 0 : i32
      %dma_wait3A_158 = tpu.memref_slice %arg12[%add3A_13, %dma_wait3A_157] : memref<10112x64xf32, #tpu.memory_space<vmem_shared>> -> memref<128x64xf32, #tpu.memory_space<vmem_shared>>
      tpu.wait_dma2 semaphore(%run_scoped3A : memref<!tpu.dma_semaphore, #tpu.memory_space<semaphore_mem>>) src(%arg8 : memref<128x64xf32, #tpu.memory_space<vmem>>) dst(%dma_wait3A_158 : memref<128x64xf32, #tpu.memory_space<vmem_shared>>)
      tpu.yield
    }) : () -> ()
    %mul3A_14 = arith.constant 632 : i32
    %mul3A_15 = arith.muli %arg1, %mul3A_14 : i32
    %add3A_16 = arith.constant 256 : i32
    %add3A_17 = arith.addi %mul3A_15, %add3A_16 : i32
    "tpu.region"() ({
      %run_scoped3A = tpu.sem_alloc : memref<!tpu.dma_semaphore, #tpu.memory_space<semaphore_mem>>
      %dma_start3A_151 = arith.constant 0 : i32
      %dma_start3A_152 = tpu.memref_slice %arg12[%add3A_17, %dma_start3A_151] : memref<10112x64xf32, #tpu.memory_space<vmem_shared>> -> memref<128x64xf32, #tpu.memory_space<vmem_shared>>
      %dma_start3A_153 = arith.constant 0 : i32
      %dma_start3A_154 = tpu.memref_slice %arg12[%add3A_17, %dma_start3A_153] : memref<10112x64xf32, #tpu.memory_space<vmem_shared>> -> memref<128x64xf32, #tpu.memory_space<vmem_shared>>
      tpu.enqueue_dma source(%arg8 : memref<128x64xf32, #tpu.memory_space<vmem>>) target(%dma_start3A_154 : memref<128x64xf32, #tpu.memory_space<vmem_shared>>) target_semaphore(%run_scoped3A : memref<!tpu.dma_semaphore, #tpu.memory_space<semaphore_mem>>)
      %dma_wait3A_155 = arith.constant 0 : i32
      %dma_wait3A_156 = tpu.memref_slice %arg12[%add3A_17, %dma_wait3A_155] : memref<10112x64xf32, #tpu.memory_space<vmem_shared>> -> memref<128x64xf32, #tpu.memory_space<vmem_shared>>
      %dma_wait3A_157 = arith.constant 0 : i32
      %dma_wait3A_158 = tpu.memref_slice %arg12[%add3A_17, %dma_wait3A_157] : memref<10112x64xf32, #tpu.memory_space<vmem_shared>> -> memref<128x64xf32, #tpu.memory_space<vmem_shared>>
      tpu.wait_dma2 semaphore(%run_scoped3A : memref<!tpu.dma_semaphore, #tpu.memory_space<semaphore_mem>>) src(%arg8 : memref<128x64xf32, #tpu.memory_space<vmem>>) dst(%dma_wait3A_158 : memref<128x64xf32, #tpu.memory_space<vmem_shared>>)
      tpu.yield
    }) : () -> ()
    %mul3A_18 = arith.constant 632 : i32
    %mul3A_19 = arith.muli %arg1, %mul3A_18 : i32
    %add3A_20 = arith.constant 384 : i32
    %add3A_21 = arith.addi %mul3A_19, %add3A_20 : i32
    "tpu.region"() ({
      %run_scoped3A = tpu.sem_alloc : memref<!tpu.dma_semaphore, #tpu.memory_space<semaphore_mem>>
      %dma_start3A_151 = arith.constant 0 : i32
      %dma_start3A_152 = tpu.memref_slice %arg12[%add3A_21, %dma_start3A_151] : memref<10112x64xf32, #tpu.memory_space<vmem_shared>> -> memref<128x64xf32, #tpu.memory_space<vmem_shared>>
      %dma_start3A_153 = arith.constant 0 : i32
      %dma_start3A_154 = tpu.memref_slice %arg12[%add3A_21, %dma_start3A_153] : memref<10112x64xf32, #tpu.memory_space<vmem_shared>> -> memref<128x64xf32, #tpu.memory_space<vmem_shared>>
      tpu.enqueue_dma source(%arg8 : memref<128x64xf32, #tpu.memory_space<vmem>>) target(%dma_start3A_154 : memref<128x64xf32, #tpu.memory_space<vmem_shared>>) target_semaphore(%run_scoped3A : memref<!tpu.dma_semaphore, #tpu.memory_space<semaphore_mem>>)
      %dma_wait3A_155 = arith.constant 0 : i32
      %dma_wait3A_156 = tpu.memref_slice %arg12[%add3A_21, %dma_wait3A_155] : memref<10112x64xf32, #tpu.memory_space<vmem_shared>> -> memref<128x64xf32, #tpu.memory_space<vmem_shared>>
      %dma_wait3A_157 = arith.constant 0 : i32
      %dma_wait3A_158 = tpu.memref_slice %arg12[%add3A_21, %dma_wait3A_157] : memref<10112x64xf32, #tpu.memory_space<vmem_shared>> -> memref<128x64xf32, #tpu.memory_space<vmem_shared>>
      tpu.wait_dma2 semaphore(%run_scoped3A : memref<!tpu.dma_semaphore, #tpu.memory_space<semaphore_mem>>) src(%arg8 : memref<128x64xf32, #tpu.memory_space<vmem>>) dst(%dma_wait3A_158 : memref<128x64xf32, #tpu.memory_space<vmem_shared>>)
      tpu.yield
    }) : () -> ()
    %mul3A_22 = arith.constant 632 : i32
    %mul3A_23 = arith.muli %arg1, %mul3A_22 : i32
    %add3A_24 = arith.constant 512 : i32
    %add3A_25 = arith.addi %mul3A_23, %add3A_24 : i32
    "tpu.region"() ({
      %run_scoped3A = tpu.sem_alloc : memref<!tpu.dma_semaphore, #tpu.memory_space<semaphore_mem>>
      %dma_start3A_151 = arith.constant 0 : i32
      %dma_start3A_152 = arith.constant 0 : i32
      %dma_start3A_153 = tpu.memref_slice %arg8[%dma_start3A_151, %dma_start3A_152] : memref<128x64xf32, #tpu.memory_space<vmem>> -> memref<120x64xf32, #tpu.memory_space<vmem>>
      %dma_start3A_154 = arith.constant 0 : i32
      %dma_start3A_155 = tpu.memref_slice %arg12[%add3A_25, %dma_start3A_154] : memref<10112x64xf32, #tpu.memory_space<vmem_shared>> -> memref<120x64xf32, #tpu.memory_space<vmem_shared>>
      %dma_start3A_156 = arith.constant 0 : i32
      %dma_start3A_157 = tpu.memref_slice %arg12[%add3A_25, %dma_start3A_156] : memref<10112x64xf32, #tpu.memory_space<vmem_shared>> -> memref<120x64xf32, #tpu.memory_space<vmem_shared>>
      %dma_start3A_158 = arith.constant 0 : i32
      %dma_start3A_159 = arith.constant 0 : i32
      %dma_start3A_160 = tpu.memref_slice %arg8[%dma_start3A_158, %dma_start3A_159] : memref<128x64xf32, #tpu.memory_space<vmem>> -> memref<120x64xf32, #tpu.memory_space<vmem>>
      tpu.enqueue_dma source(%dma_start3A_160 : memref<120x64xf32, #tpu.memory_space<vmem>>) target(%dma_start3A_157 : memref<120x64xf32, #tpu.memory_space<vmem_shared>>) target_semaphore(%run_scoped3A : memref<!tpu.dma_semaphore, #tpu.memory_space<semaphore_mem>>)
      %dma_wait3A_161 = arith.constant 0 : i32
      %dma_wait3A_162 = arith.constant 0 : i32
      %dma_wait3A_163 = tpu.memref_slice %arg8[%dma_wait3A_161, %dma_wait3A_162] : memref<128x64xf32, #tpu.memory_space<vmem>> -> memref<120x64xf32, #tpu.memory_space<vmem>>
      %dma_wait3A_164 = arith.constant 0 : i32
      %dma_wait3A_165 = tpu.memref_slice %arg12[%add3A_25, %dma_wait3A_164] : memref<10112x64xf32, #tpu.memory_space<vmem_shared>> -> memref<120x64xf32, #tpu.memory_space<vmem_shared>>
      %dma_wait3A_166 = arith.constant 0 : i32
      %dma_wait3A_167 = tpu.memref_slice %arg12[%add3A_25, %dma_wait3A_166] : memref<10112x64xf32, #tpu.memory_space<vmem_shared>> -> memref<120x64xf32, #tpu.memory_space<vmem_shared>>
      %dma_wait3A_168 = arith.constant 0 : i32
      %dma_wait3A_169 = arith.constant 0 : i32
      %dma_wait3A_170 = tpu.memref_slice %arg8[%dma_wait3A_168, %dma_wait3A_169] : memref<128x64xf32, #tpu.memory_space<vmem>> -> memref<120x64xf32, #tpu.memory_space<vmem>>
      tpu.wait_dma2 semaphore(%run_scoped3A : memref<!tpu.dma_semaphore, #tpu.memory_space<semaphore_mem>>) src(%dma_wait3A_170 : memref<120x64xf32, #tpu.memory_space<vmem>>) dst(%dma_wait3A_167 : memref<120x64xf32, #tpu.memory_space<vmem_shared>>)
      tpu.yield
    }) : () -> ()
    %barrier3A = arith.constant 0 : index
    tpu.barrier barrier_id(%barrier3A)
    %mul3A_26 = arith.constant 80 : i32
    %mul3A_27 = arith.muli %add3A, %mul3A_26 : i32
    %add3A_28 = arith.constant 0 : i32
    %add3A_29 = arith.addi %mul3A_27, %add3A_28 : i32
    "tpu.region"() ({
      %run_scoped3A = tpu.sem_alloc : memref<!tpu.dma_semaphore, #tpu.memory_space<semaphore_mem>>
      %dma_start3A_151 = arith.constant 0 : i32
      %dma_start3A_152 = tpu.memref_slice %arg3[%add3A_29, %dma_start3A_151] : memref<2560x128xi32, #tpu.memory_space<hbm>> -> memref<80x128xi32, #tpu.memory_space<hbm>>
      %dma_start3A_153 = arith.constant 0 : i32
      %dma_start3A_154 = tpu.memref_slice %arg3[%add3A_29, %dma_start3A_153] : memref<2560x128xi32, #tpu.memory_space<hbm>> -> memref<80x128xi32, #tpu.memory_space<hbm>>
      tpu.enqueue_dma source(%dma_start3A_154 : memref<80x128xi32, #tpu.memory_space<hbm>>) target(%arg6 : memref<80x128xi32, #tpu.memory_space<vmem>>) target_semaphore(%run_scoped3A : memref<!tpu.dma_semaphore, #tpu.memory_space<semaphore_mem>>)
      %dma_wait3A_155 = arith.constant 0 : i32
      %dma_wait3A_156 = tpu.memref_slice %arg3[%add3A_29, %dma_wait3A_155] : memref<2560x128xi32, #tpu.memory_space<hbm>> -> memref<80x128xi32, #tpu.memory_space<hbm>>
      %dma_wait3A_157 = arith.constant 0 : i32
      %dma_wait3A_158 = tpu.memref_slice %arg3[%add3A_29, %dma_wait3A_157] : memref<2560x128xi32, #tpu.memory_space<hbm>> -> memref<80x128xi32, #tpu.memory_space<hbm>>
      tpu.wait_dma2 semaphore(%run_scoped3A : memref<!tpu.dma_semaphore, #tpu.memory_space<semaphore_mem>>) src(%dma_wait3A_158 : memref<80x128xi32, #tpu.memory_space<hbm>>) dst(%arg6 : memref<80x128xi32, #tpu.memory_space<vmem>>)
      tpu.yield
    }) : () -> ()
    "tpu.region"() ({
      %run_scoped3A = tpu.sem_alloc : memref<!tpu.dma_semaphore, #tpu.memory_space<semaphore_mem>>
      %dma_start3A_151 = arith.constant 0 : i32
      %dma_start3A_152 = tpu.memref_slice %arg4[%add3A_29, %dma_start3A_151] : memref<2560x128xi32, #tpu.memory_space<hbm>> -> memref<80x128xi32, #tpu.memory_space<hbm>>
      %dma_start3A_153 = arith.constant 0 : i32
      %dma_start3A_154 = tpu.memref_slice %arg4[%add3A_29, %dma_start3A_153] : memref<2560x128xi32, #tpu.memory_space<hbm>> -> memref<80x128xi32, #tpu.memory_space<hbm>>
      tpu.enqueue_dma source(%dma_start3A_154 : memref<80x128xi32, #tpu.memory_space<hbm>>) target(%arg7 : memref<80x128xi32, #tpu.memory_space<vmem>>) target_semaphore(%run_scoped3A : memref<!tpu.dma_semaphore, #tpu.memory_space<semaphore_mem>>)
      %dma_wait3A_155 = arith.constant 0 : i32
      %dma_wait3A_156 = tpu.memref_slice %arg4[%add3A_29, %dma_wait3A_155] : memref<2560x128xi32, #tpu.memory_space<hbm>> -> memref<80x128xi32, #tpu.memory_space<hbm>>
      %dma_wait3A_157 = arith.constant 0 : i32
      %dma_wait3A_158 = tpu.memref_slice %arg4[%add3A_29, %dma_wait3A_157] : memref<2560x128xi32, #tpu.memory_space<hbm>> -> memref<80x128xi32, #tpu.memory_space<hbm>>
      tpu.wait_dma2 semaphore(%run_scoped3A : memref<!tpu.dma_semaphore, #tpu.memory_space<semaphore_mem>>) src(%dma_wait3A_158 : memref<80x128xi32, #tpu.memory_space<hbm>>) dst(%arg7 : memref<80x128xi32, #tpu.memory_space<vmem>>)
      tpu.yield
    }) : () -> ()
    %dma_start3A = arith.constant 0 : i32
    %dma_start3A_30 = arith.constant 0 : i32
    %dma_start3A_31 = tpu.memref_slice %arg6[%dma_start3A, %dma_start3A_30] : memref<80x128xi32, #tpu.memory_space<vmem>> -> memref<1x128xi32, #tpu.memory_space<vmem>>
    %dma_start3A_32 = tpu.memref_squeeze %dma_start3A_31 : memref<1x128xi32, #tpu.memory_space<vmem>> -> memref<128xi32, #tpu.memory_space<vmem>>
    %dma_start3A_33 = arith.constant 0 : i32
    %dma_start3A_34 = arith.constant 0 : i32
    %dma_start3A_35 = tpu.memref_slice %arg2[%dma_start3A_33, %dma_start3A_34] : memref<10000x64xf32, #tpu.memory_space<hbm>> -> memref<10000x64xf32, #tpu.memory_space<hbm>>
    tpu.enqueue_indirect_dma source(%dma_start3A_35 : memref<10000x64xf32, #tpu.memory_space<hbm>>) target(%arg8 : memref<128x64xf32, #tpu.memory_space<vmem>>) offsets(%dma_start3A_32 : memref<128xi32, #tpu.memory_space<vmem>>) semaphore(%arg13 : memref<!tpu.dma_semaphore, #tpu.memory_space<semaphore_mem>>)
    %dma_start3A_36 = arith.constant 1 : i32
    %dma_start3A_37 = arith.constant 0 : i32
    %dma_start3A_38 = tpu.memref_slice %arg6[%dma_start3A_36, %dma_start3A_37] : memref<80x128xi32, #tpu.memory_space<vmem>> -> memref<1x128xi32, #tpu.memory_space<vmem>>
    %dma_start3A_39 = tpu.memref_squeeze %dma_start3A_38 : memref<1x128xi32, #tpu.memory_space<vmem>> -> memref<128xi32, #tpu.memory_space<vmem>>
    %dma_start3A_40 = arith.constant 0 : i32
    %dma_start3A_41 = arith.constant 0 : i32
    %dma_start3A_42 = tpu.memref_slice %arg2[%dma_start3A_40, %dma_start3A_41] : memref<10000x64xf32, #tpu.memory_space<hbm>> -> memref<10000x64xf32, #tpu.memory_space<hbm>>
    tpu.enqueue_indirect_dma source(%dma_start3A_42 : memref<10000x64xf32, #tpu.memory_space<hbm>>) target(%arg9 : memref<128x64xf32, #tpu.memory_space<vmem>>) offsets(%dma_start3A_39 : memref<128xi32, #tpu.memory_space<vmem>>) semaphore(%arg14 : memref<!tpu.dma_semaphore, #tpu.memory_space<semaphore_mem>>)
    %dma_wait3A = arith.constant 0 : i32
    %dma_wait3A_43 = arith.constant 0 : i32
    %dma_wait3A_44 = tpu.memref_slice %arg6[%dma_wait3A, %dma_wait3A_43] : memref<80x128xi32, #tpu.memory_space<vmem>> -> memref<1x128xi32, #tpu.memory_space<vmem>>
    %dma_wait3A_45 = tpu.memref_squeeze %dma_wait3A_44 : memref<1x128xi32, #tpu.memory_space<vmem>> -> memref<128xi32, #tpu.memory_space<vmem>>
    %dma_wait3A_46 = arith.constant 0 : i32
    %dma_wait3A_47 = arith.constant 0 : i32
    %dma_wait3A_48 = tpu.memref_slice %arg2[%dma_wait3A_46, %dma_wait3A_47] : memref<10000x64xf32, #tpu.memory_space<hbm>> -> memref<10000x64xf32, #tpu.memory_space<hbm>>
    tpu.wait_indirect_dma semaphore(%arg13 : memref<!tpu.dma_semaphore, #tpu.memory_space<semaphore_mem>>) src(%dma_wait3A_48 : memref<10000x64xf32, #tpu.memory_space<hbm>>) dst(%arg8 : memref<128x64xf32, #tpu.memory_space<vmem>>)
    %dma_start3A_49 = arith.constant 0 : i32
    %dma_start3A_50 = arith.constant 0 : i32
    %dma_start3A_51 = tpu.memref_slice %arg7[%dma_start3A_49, %dma_start3A_50] : memref<80x128xi32, #tpu.memory_space<vmem>> -> memref<1x128xi32, #tpu.memory_space<vmem>>
    %dma_start3A_52 = tpu.memref_squeeze %dma_start3A_51 : memref<1x128xi32, #tpu.memory_space<vmem>> -> memref<128xi32, #tpu.memory_space<vmem>>
    %dma_start3A_53 = arith.constant 0 : i32
    %dma_start3A_54 = arith.constant 0 : i32
    %dma_start3A_55 = tpu.memref_slice %arg12[%dma_start3A_53, %dma_start3A_54] : memref<10112x64xf32, #tpu.memory_space<vmem_shared>> -> memref<10112x64xf32, #tpu.memory_space<vmem_shared>>
    tpu.enqueue_indirect_dma source(%arg8 : memref<128x64xf32, #tpu.memory_space<vmem>>) target(%dma_start3A_55 : memref<10112x64xf32, #tpu.memory_space<vmem_shared>>) offsets(%dma_start3A_52 : memref<128xi32, #tpu.memory_space<vmem>>) semaphore(%arg17 : memref<!tpu.dma_semaphore, #tpu.memory_space<semaphore_mem>>) {add = true}
    %dma_start3A_56 = arith.constant 2 : i32
    %dma_start3A_57 = arith.constant 0 : i32
    %dma_start3A_58 = tpu.memref_slice %arg6[%dma_start3A_56, %dma_start3A_57] : memref<80x128xi32, #tpu.memory_space<vmem>> -> memref<1x128xi32, #tpu.memory_space<vmem>>
    %dma_start3A_59 = tpu.memref_squeeze %dma_start3A_58 : memref<1x128xi32, #tpu.memory_space<vmem>> -> memref<128xi32, #tpu.memory_space<vmem>>
    %dma_start3A_60 = arith.constant 0 : i32
    %dma_start3A_61 = arith.constant 0 : i32
    %dma_start3A_62 = tpu.memref_slice %arg2[%dma_start3A_60, %dma_start3A_61] : memref<10000x64xf32, #tpu.memory_space<hbm>> -> memref<10000x64xf32, #tpu.memory_space<hbm>>
    tpu.enqueue_indirect_dma source(%dma_start3A_62 : memref<10000x64xf32, #tpu.memory_space<hbm>>) target(%arg10 : memref<128x64xf32, #tpu.memory_space<vmem>>) offsets(%dma_start3A_59 : memref<128xi32, #tpu.memory_space<vmem>>) semaphore(%arg15 : memref<!tpu.dma_semaphore, #tpu.memory_space<semaphore_mem>>)
    %dma_wait3A_63 = arith.constant 0 : i32
    %dma_wait3A_64 = arith.constant 0 : i32
    %dma_wait3A_65 = tpu.memref_slice %arg6[%dma_wait3A_63, %dma_wait3A_64] : memref<80x128xi32, #tpu.memory_space<vmem>> -> memref<1x128xi32, #tpu.memory_space<vmem>>
    %dma_wait3A_66 = tpu.memref_squeeze %dma_wait3A_65 : memref<1x128xi32, #tpu.memory_space<vmem>> -> memref<128xi32, #tpu.memory_space<vmem>>
    %dma_wait3A_67 = arith.constant 0 : i32
    %dma_wait3A_68 = arith.constant 0 : i32
    %dma_wait3A_69 = tpu.memref_slice %arg2[%dma_wait3A_67, %dma_wait3A_68] : memref<10000x64xf32, #tpu.memory_space<hbm>> -> memref<10000x64xf32, #tpu.memory_space<hbm>>
    tpu.wait_indirect_dma semaphore(%arg14 : memref<!tpu.dma_semaphore, #tpu.memory_space<semaphore_mem>>) src(%dma_wait3A_69 : memref<10000x64xf32, #tpu.memory_space<hbm>>) dst(%arg9 : memref<128x64xf32, #tpu.memory_space<vmem>>)
    %dma_start3A_70 = arith.constant 1 : i32
    %dma_start3A_71 = arith.constant 0 : i32
    %dma_start3A_72 = tpu.memref_slice %arg7[%dma_start3A_70, %dma_start3A_71] : memref<80x128xi32, #tpu.memory_space<vmem>> -> memref<1x128xi32, #tpu.memory_space<vmem>>
    %dma_start3A_73 = tpu.memref_squeeze %dma_start3A_72 : memref<1x128xi32, #tpu.memory_space<vmem>> -> memref<128xi32, #tpu.memory_space<vmem>>
    %dma_start3A_74 = arith.constant 0 : i32
    %dma_start3A_75 = arith.constant 0 : i32
    %dma_start3A_76 = tpu.memref_slice %arg12[%dma_start3A_74, %dma_start3A_75] : memref<10112x64xf32, #tpu.memory_space<vmem_shared>> -> memref<10112x64xf32, #tpu.memory_space<vmem_shared>>
    tpu.enqueue_indirect_dma source(%arg9 : memref<128x64xf32, #tpu.memory_space<vmem>>) target(%dma_start3A_76 : memref<10112x64xf32, #tpu.memory_space<vmem_shared>>) offsets(%dma_start3A_73 : memref<128xi32, #tpu.memory_space<vmem>>) semaphore(%arg18 : memref<!tpu.dma_semaphore, #tpu.memory_space<semaphore_mem>>) {add = true}
    %dma_start3A_77 = arith.constant 3 : i32
    %dma_start3A_78 = arith.constant 0 : i32
    %dma_start3A_79 = tpu.memref_slice %arg6[%dma_start3A_77, %dma_start3A_78] : memref<80x128xi32, #tpu.memory_space<vmem>> -> memref<1x128xi32, #tpu.memory_space<vmem>>
    %dma_start3A_80 = tpu.memref_squeeze %dma_start3A_79 : memref<1x128xi32, #tpu.memory_space<vmem>> -> memref<128xi32, #tpu.memory_space<vmem>>
    %dma_start3A_81 = arith.constant 0 : i32
    %dma_start3A_82 = arith.constant 0 : i32
    %dma_start3A_83 = tpu.memref_slice %arg2[%dma_start3A_81, %dma_start3A_82] : memref<10000x64xf32, #tpu.memory_space<hbm>> -> memref<10000x64xf32, #tpu.memory_space<hbm>>
    tpu.enqueue_indirect_dma source(%dma_start3A_83 : memref<10000x64xf32, #tpu.memory_space<hbm>>) target(%arg11 : memref<128x64xf32, #tpu.memory_space<vmem>>) offsets(%dma_start3A_80 : memref<128xi32, #tpu.memory_space<vmem>>) semaphore(%arg16 : memref<!tpu.dma_semaphore, #tpu.memory_space<semaphore_mem>>)
    %scan3A_84 = arith.constant 0 : i32
    %scan3A_85 = arith.constant 0 : i32
    %scan3A_86 = arith.constant 19 : i32
    %scan3A_87 = arith.addi %scan3A_85, %scan3A_86 : i32
    %scan3A_88 = arith.constant 1 : i32
    scf.for %scan3A_151 = %scan3A_85 to %scan3A_87 step %scan3A_88  : i32 {
      %mul3A_152 = arith.constant 4 : i32
      %mul3A_153 = arith.muli %mul3A_152, %scan3A_151 : i32
      %add3A_154 = arith.constant 2 : i32
      %add3A_155 = arith.addi %mul3A_153, %add3A_154 : i32
      %dma_wait3A_156 = arith.constant 0 : i32
      %dma_wait3A_157 = arith.constant 0 : i32
      %dma_wait3A_158 = tpu.memref_slice %arg6[%dma_wait3A_156, %dma_wait3A_157] : memref<80x128xi32, #tpu.memory_space<vmem>> -> memref<1x128xi32, #tpu.memory_space<vmem>>
      %dma_wait3A_159 = tpu.memref_squeeze %dma_wait3A_158 : memref<1x128xi32, #tpu.memory_space<vmem>> -> memref<128xi32, #tpu.memory_space<vmem>>
      %dma_wait3A_160 = arith.constant 0 : i32
      %dma_wait3A_161 = arith.constant 0 : i32
      %dma_wait3A_162 = tpu.memref_slice %arg2[%dma_wait3A_160, %dma_wait3A_161] : memref<10000x64xf32, #tpu.memory_space<hbm>> -> memref<10000x64xf32, #tpu.memory_space<hbm>>
      tpu.wait_indirect_dma semaphore(%arg15 : memref<!tpu.dma_semaphore, #tpu.memory_space<semaphore_mem>>) src(%dma_wait3A_162 : memref<10000x64xf32, #tpu.memory_space<hbm>>) dst(%arg10 : memref<128x64xf32, #tpu.memory_space<vmem>>)
      %add3A_163 = arith.constant 0 : i32
      %add3A_164 = arith.addi %add3A_155, %add3A_163 : i32
      %dma_start3A_165 = arith.constant 0 : i32
      %dma_start3A_166 = tpu.memref_slice %arg7[%add3A_164, %dma_start3A_165] : memref<80x128xi32, #tpu.memory_space<vmem>> -> memref<1x128xi32, #tpu.memory_space<vmem>>
      %dma_start3A_167 = tpu.memref_squeeze %dma_start3A_166 : memref<1x128xi32, #tpu.memory_space<vmem>> -> memref<128xi32, #tpu.memory_space<vmem>>
      %dma_start3A_168 = arith.constant 0 : i32
      %dma_start3A_169 = arith.constant 0 : i32
      %dma_start3A_170 = tpu.memref_slice %arg12[%dma_start3A_168, %dma_start3A_169] : memref<10112x64xf32, #tpu.memory_space<vmem_shared>> -> memref<10112x64xf32, #tpu.memory_space<vmem_shared>>
      tpu.enqueue_indirect_dma source(%arg10 : memref<128x64xf32, #tpu.memory_space<vmem>>) target(%dma_start3A_170 : memref<10112x64xf32, #tpu.memory_space<vmem_shared>>) offsets(%dma_start3A_167 : memref<128xi32, #tpu.memory_space<vmem>>) semaphore(%arg19 : memref<!tpu.dma_semaphore, #tpu.memory_space<semaphore_mem>>) {add = true}
      %dma_wait3A_171 = arith.constant 0 : i32
      %dma_wait3A_172 = arith.constant 0 : i32
      %dma_wait3A_173 = tpu.memref_slice %arg7[%dma_wait3A_171, %dma_wait3A_172] : memref<80x128xi32, #tpu.memory_space<vmem>> -> memref<1x128xi32, #tpu.memory_space<vmem>>
      %dma_wait3A_174 = tpu.memref_squeeze %dma_wait3A_173 : memref<1x128xi32, #tpu.memory_space<vmem>> -> memref<128xi32, #tpu.memory_space<vmem>>
      %dma_wait3A_175 = arith.constant 0 : i32
      %dma_wait3A_176 = arith.constant 0 : i32
      %dma_wait3A_177 = tpu.memref_slice %arg12[%dma_wait3A_175, %dma_wait3A_176] : memref<10112x64xf32, #tpu.memory_space<vmem_shared>> -> memref<10112x64xf32, #tpu.memory_space<vmem_shared>>
      tpu.wait_indirect_dma semaphore(%arg17 : memref<!tpu.dma_semaphore, #tpu.memory_space<semaphore_mem>>) src(%arg8 : memref<128x64xf32, #tpu.memory_space<vmem>>) dst(%dma_wait3A_177 : memref<10112x64xf32, #tpu.memory_space<vmem_shared>>)
      %add3A_178 = arith.constant 0 : i32
      %add3A_179 = arith.addi %add3A_155, %add3A_178 : i32
      %add3A_180 = arith.constant 2 : i32
      %add3A_181 = arith.addi %add3A_179, %add3A_180 : i32
      %dma_start3A_182 = arith.constant 0 : i32
      %dma_start3A_183 = tpu.memref_slice %arg6[%add3A_181, %dma_start3A_182] : memref<80x128xi32, #tpu.memory_space<vmem>> -> memref<1x128xi32, #tpu.memory_space<vmem>>
      %dma_start3A_184 = tpu.memref_squeeze %dma_start3A_183 : memref<1x128xi32, #tpu.memory_space<vmem>> -> memref<128xi32, #tpu.memory_space<vmem>>
      %dma_start3A_185 = arith.constant 0 : i32
      %dma_start3A_186 = arith.constant 0 : i32
      %dma_start3A_187 = tpu.memref_slice %arg2[%dma_start3A_185, %dma_start3A_186] : memref<10000x64xf32, #tpu.memory_space<hbm>> -> memref<10000x64xf32, #tpu.memory_space<hbm>>
      tpu.enqueue_indirect_dma source(%dma_start3A_187 : memref<10000x64xf32, #tpu.memory_space<hbm>>) target(%arg8 : memref<128x64xf32, #tpu.memory_space<vmem>>) offsets(%dma_start3A_184 : memref<128xi32, #tpu.memory_space<vmem>>) semaphore(%arg13 : memref<!tpu.dma_semaphore, #tpu.memory_space<semaphore_mem>>)
      %dma_wait3A_188 = arith.constant 0 : i32
      %dma_wait3A_189 = arith.constant 0 : i32
      %dma_wait3A_190 = tpu.memref_slice %arg6[%dma_wait3A_188, %dma_wait3A_189] : memref<80x128xi32, #tpu.memory_space<vmem>> -> memref<1x128xi32, #tpu.memory_space<vmem>>
      %dma_wait3A_191 = tpu.memref_squeeze %dma_wait3A_190 : memref<1x128xi32, #tpu.memory_space<vmem>> -> memref<128xi32, #tpu.memory_space<vmem>>
      %dma_wait3A_192 = arith.constant 0 : i32
      %dma_wait3A_193 = arith.constant 0 : i32
      %dma_wait3A_194 = tpu.memref_slice %arg2[%dma_wait3A_192, %dma_wait3A_193] : memref<10000x64xf32, #tpu.memory_space<hbm>> -> memref<10000x64xf32, #tpu.memory_space<hbm>>
      tpu.wait_indirect_dma semaphore(%arg16 : memref<!tpu.dma_semaphore, #tpu.memory_space<semaphore_mem>>) src(%dma_wait3A_194 : memref<10000x64xf32, #tpu.memory_space<hbm>>) dst(%arg11 : memref<128x64xf32, #tpu.memory_space<vmem>>)
      %add3A_195 = arith.constant 1 : i32
      %add3A_196 = arith.addi %add3A_155, %add3A_195 : i32
      %dma_start3A_197 = arith.constant 0 : i32
      %dma_start3A_198 = tpu.memref_slice %arg7[%add3A_196, %dma_start3A_197] : memref<80x128xi32, #tpu.memory_space<vmem>> -> memref<1x128xi32, #tpu.memory_space<vmem>>
      %dma_start3A_199 = tpu.memref_squeeze %dma_start3A_198 : memref<1x128xi32, #tpu.memory_space<vmem>> -> memref<128xi32, #tpu.memory_space<vmem>>
      %dma_start3A_200 = arith.constant 0 : i32
      %dma_start3A_201 = arith.constant 0 : i32
      %dma_start3A_202 = tpu.memref_slice %arg12[%dma_start3A_200, %dma_start3A_201] : memref<10112x64xf32, #tpu.memory_space<vmem_shared>> -> memref<10112x64xf32, #tpu.memory_space<vmem_shared>>
      tpu.enqueue_indirect_dma source(%arg11 : memref<128x64xf32, #tpu.memory_space<vmem>>) target(%dma_start3A_202 : memref<10112x64xf32, #tpu.memory_space<vmem_shared>>) offsets(%dma_start3A_199 : memref<128xi32, #tpu.memory_space<vmem>>) semaphore(%arg20 : memref<!tpu.dma_semaphore, #tpu.memory_space<semaphore_mem>>) {add = true}
      %dma_wait3A_203 = arith.constant 0 : i32
      %dma_wait3A_204 = arith.constant 0 : i32
      %dma_wait3A_205 = tpu.memref_slice %arg7[%dma_wait3A_203, %dma_wait3A_204] : memref<80x128xi32, #tpu.memory_space<vmem>> -> memref<1x128xi32, #tpu.memory_space<vmem>>
      %dma_wait3A_206 = tpu.memref_squeeze %dma_wait3A_205 : memref<1x128xi32, #tpu.memory_space<vmem>> -> memref<128xi32, #tpu.memory_space<vmem>>
      %dma_wait3A_207 = arith.constant 0 : i32
      %dma_wait3A_208 = arith.constant 0 : i32
      %dma_wait3A_209 = tpu.memref_slice %arg12[%dma_wait3A_207, %dma_wait3A_208] : memref<10112x64xf32, #tpu.memory_space<vmem_shared>> -> memref<10112x64xf32, #tpu.memory_space<vmem_shared>>
      tpu.wait_indirect_dma semaphore(%arg18 : memref<!tpu.dma_semaphore, #tpu.memory_space<semaphore_mem>>) src(%arg9 : memref<128x64xf32, #tpu.memory_space<vmem>>) dst(%dma_wait3A_209 : memref<10112x64xf32, #tpu.memory_space<vmem_shared>>)
      %add3A_210 = arith.constant 1 : i32
      %add3A_211 = arith.addi %add3A_155, %add3A_210 : i32
      %add3A_212 = arith.constant 2 : i32
      %add3A_213 = arith.addi %add3A_211, %add3A_212 : i32
      %dma_start3A_214 = arith.constant 0 : i32
      %dma_start3A_215 = tpu.memref_slice %arg6[%add3A_213, %dma_start3A_214] : memref<80x128xi32, #tpu.memory_space<vmem>> -> memref<1x128xi32, #tpu.memory_space<vmem>>
      %dma_start3A_216 = tpu.memref_squeeze %dma_start3A_215 : memref<1x128xi32, #tpu.memory_space<vmem>> -> memref<128xi32, #tpu.memory_space<vmem>>
      %dma_start3A_217 = arith.constant 0 : i32
      %dma_start3A_218 = arith.constant 0 : i32
      %dma_start3A_219 = tpu.memref_slice %arg2[%dma_start3A_217, %dma_start3A_218] : memref<10000x64xf32, #tpu.memory_space<hbm>> -> memref<10000x64xf32, #tpu.memory_space<hbm>>
      tpu.enqueue_indirect_dma source(%dma_start3A_219 : memref<10000x64xf32, #tpu.memory_space<hbm>>) target(%arg9 : memref<128x64xf32, #tpu.memory_space<vmem>>) offsets(%dma_start3A_216 : memref<128xi32, #tpu.memory_space<vmem>>) semaphore(%arg14 : memref<!tpu.dma_semaphore, #tpu.memory_space<semaphore_mem>>)
      %dma_wait3A_220 = arith.constant 0 : i32
      %dma_wait3A_221 = arith.constant 0 : i32
      %dma_wait3A_222 = tpu.memref_slice %arg6[%dma_wait3A_220, %dma_wait3A_221] : memref<80x128xi32, #tpu.memory_space<vmem>> -> memref<1x128xi32, #tpu.memory_space<vmem>>
      %dma_wait3A_223 = tpu.memref_squeeze %dma_wait3A_222 : memref<1x128xi32, #tpu.memory_space<vmem>> -> memref<128xi32, #tpu.memory_space<vmem>>
      %dma_wait3A_224 = arith.constant 0 : i32
      %dma_wait3A_225 = arith.constant 0 : i32
      %dma_wait3A_226 = tpu.memref_slice %arg2[%dma_wait3A_224, %dma_wait3A_225] : memref<10000x64xf32, #tpu.memory_space<hbm>> -> memref<10000x64xf32, #tpu.memory_space<hbm>>
      tpu.wait_indirect_dma semaphore(%arg13 : memref<!tpu.dma_semaphore, #tpu.memory_space<semaphore_mem>>) src(%dma_wait3A_226 : memref<10000x64xf32, #tpu.memory_space<hbm>>) dst(%arg8 : memref<128x64xf32, #tpu.memory_space<vmem>>)
      %add3A_227 = arith.constant 2 : i32
      %add3A_228 = arith.addi %add3A_155, %add3A_227 : i32
      %dma_start3A_229 = arith.constant 0 : i32
      %dma_start3A_230 = tpu.memref_slice %arg7[%add3A_228, %dma_start3A_229] : memref<80x128xi32, #tpu.memory_space<vmem>> -> memref<1x128xi32, #tpu.memory_space<vmem>>
      %dma_start3A_231 = tpu.memref_squeeze %dma_start3A_230 : memref<1x128xi32, #tpu.memory_space<vmem>> -> memref<128xi32, #tpu.memory_space<vmem>>
      %dma_start3A_232 = arith.constant 0 : i32
      %dma_start3A_233 = arith.constant 0 : i32
      %dma_start3A_234 = tpu.memref_slice %arg12[%dma_start3A_232, %dma_start3A_233] : memref<10112x64xf32, #tpu.memory_space<vmem_shared>> -> memref<10112x64xf32, #tpu.memory_space<vmem_shared>>
      tpu.enqueue_indirect_dma source(%arg8 : memref<128x64xf32, #tpu.memory_space<vmem>>) target(%dma_start3A_234 : memref<10112x64xf32, #tpu.memory_space<vmem_shared>>) offsets(%dma_start3A_231 : memref<128xi32, #tpu.memory_space<vmem>>) semaphore(%arg17 : memref<!tpu.dma_semaphore, #tpu.memory_space<semaphore_mem>>) {add = true}
      %dma_wait3A_235 = arith.constant 0 : i32
      %dma_wait3A_236 = arith.constant 0 : i32
      %dma_wait3A_237 = tpu.memref_slice %arg7[%dma_wait3A_235, %dma_wait3A_236] : memref<80x128xi32, #tpu.memory_space<vmem>> -> memref<1x128xi32, #tpu.memory_space<vmem>>
      %dma_wait3A_238 = tpu.memref_squeeze %dma_wait3A_237 : memref<1x128xi32, #tpu.memory_space<vmem>> -> memref<128xi32, #tpu.memory_space<vmem>>
      %dma_wait3A_239 = arith.constant 0 : i32
      %dma_wait3A_240 = arith.constant 0 : i32
      %dma_wait3A_241 = tpu.memref_slice %arg12[%dma_wait3A_239, %dma_wait3A_240] : memref<10112x64xf32, #tpu.memory_space<vmem_shared>> -> memref<10112x64xf32, #tpu.memory_space<vmem_shared>>
      tpu.wait_indirect_dma semaphore(%arg19 : memref<!tpu.dma_semaphore, #tpu.memory_space<semaphore_mem>>) src(%arg10 : memref<128x64xf32, #tpu.memory_space<vmem>>) dst(%dma_wait3A_241 : memref<10112x64xf32, #tpu.memory_space<vmem_shared>>)
      %add3A_242 = arith.constant 2 : i32
      %add3A_243 = arith.addi %add3A_155, %add3A_242 : i32
      %add3A_244 = arith.constant 2 : i32
      %add3A_245 = arith.addi %add3A_243, %add3A_244 : i32
      %dma_start3A_246 = arith.constant 0 : i32
      %dma_start3A_247 = tpu.memref_slice %arg6[%add3A_245, %dma_start3A_246] : memref<80x128xi32, #tpu.memory_space<vmem>> -> memref<1x128xi32, #tpu.memory_space<vmem>>
      %dma_start3A_248 = tpu.memref_squeeze %dma_start3A_247 : memref<1x128xi32, #tpu.memory_space<vmem>> -> memref<128xi32, #tpu.memory_space<vmem>>
      %dma_start3A_249 = arith.constant 0 : i32
      %dma_start3A_250 = arith.constant 0 : i32
      %dma_start3A_251 = tpu.memref_slice %arg2[%dma_start3A_249, %dma_start3A_250] : memref<10000x64xf32, #tpu.memory_space<hbm>> -> memref<10000x64xf32, #tpu.memory_space<hbm>>
      tpu.enqueue_indirect_dma source(%dma_start3A_251 : memref<10000x64xf32, #tpu.memory_space<hbm>>) target(%arg10 : memref<128x64xf32, #tpu.memory_space<vmem>>) offsets(%dma_start3A_248 : memref<128xi32, #tpu.memory_space<vmem>>) semaphore(%arg15 : memref<!tpu.dma_semaphore, #tpu.memory_space<semaphore_mem>>)
      %dma_wait3A_252 = arith.constant 0 : i32
      %dma_wait3A_253 = arith.constant 0 : i32
      %dma_wait3A_254 = tpu.memref_slice %arg6[%dma_wait3A_252, %dma_wait3A_253] : memref<80x128xi32, #tpu.memory_space<vmem>> -> memref<1x128xi32, #tpu.memory_space<vmem>>
      %dma_wait3A_255 = tpu.memref_squeeze %dma_wait3A_254 : memref<1x128xi32, #tpu.memory_space<vmem>> -> memref<128xi32, #tpu.memory_space<vmem>>
      %dma_wait3A_256 = arith.constant 0 : i32
      %dma_wait3A_257 = arith.constant 0 : i32
      %dma_wait3A_258 = tpu.memref_slice %arg2[%dma_wait3A_256, %dma_wait3A_257] : memref<10000x64xf32, #tpu.memory_space<hbm>> -> memref<10000x64xf32, #tpu.memory_space<hbm>>
      tpu.wait_indirect_dma semaphore(%arg14 : memref<!tpu.dma_semaphore, #tpu.memory_space<semaphore_mem>>) src(%dma_wait3A_258 : memref<10000x64xf32, #tpu.memory_space<hbm>>) dst(%arg9 : memref<128x64xf32, #tpu.memory_space<vmem>>)
      %add3A_259 = arith.constant 3 : i32
      %add3A_260 = arith.addi %add3A_155, %add3A_259 : i32
      %dma_start3A_261 = arith.constant 0 : i32
      %dma_start3A_262 = tpu.memref_slice %arg7[%add3A_260, %dma_start3A_261] : memref<80x128xi32, #tpu.memory_space<vmem>> -> memref<1x128xi32, #tpu.memory_space<vmem>>
      %dma_start3A_263 = tpu.memref_squeeze %dma_start3A_262 : memref<1x128xi32, #tpu.memory_space<vmem>> -> memref<128xi32, #tpu.memory_space<vmem>>
      %dma_start3A_264 = arith.constant 0 : i32
      %dma_start3A_265 = arith.constant 0 : i32
      %dma_start3A_266 = tpu.memref_slice %arg12[%dma_start3A_264, %dma_start3A_265] : memref<10112x64xf32, #tpu.memory_space<vmem_shared>> -> memref<10112x64xf32, #tpu.memory_space<vmem_shared>>
      tpu.enqueue_indirect_dma source(%arg9 : memref<128x64xf32, #tpu.memory_space<vmem>>) target(%dma_start3A_266 : memref<10112x64xf32, #tpu.memory_space<vmem_shared>>) offsets(%dma_start3A_263 : memref<128xi32, #tpu.memory_space<vmem>>) semaphore(%arg18 : memref<!tpu.dma_semaphore, #tpu.memory_space<semaphore_mem>>) {add = true}
      %dma_wait3A_267 = arith.constant 0 : i32
      %dma_wait3A_268 = arith.constant 0 : i32
      %dma_wait3A_269 = tpu.memref_slice %arg7[%dma_wait3A_267, %dma_wait3A_268] : memref<80x128xi32, #tpu.memory_space<vmem>> -> memref<1x128xi32, #tpu.memory_space<vmem>>
      %dma_wait3A_270 = tpu.memref_squeeze %dma_wait3A_269 : memref<1x128xi32, #tpu.memory_space<vmem>> -> memref<128xi32, #tpu.memory_space<vmem>>
      %dma_wait3A_271 = arith.constant 0 : i32
      %dma_wait3A_272 = arith.constant 0 : i32
      %dma_wait3A_273 = tpu.memref_slice %arg12[%dma_wait3A_271, %dma_wait3A_272] : memref<10112x64xf32, #tpu.memory_space<vmem_shared>> -> memref<10112x64xf32, #tpu.memory_space<vmem_shared>>
      tpu.wait_indirect_dma semaphore(%arg20 : memref<!tpu.dma_semaphore, #tpu.memory_space<semaphore_mem>>) src(%arg11 : memref<128x64xf32, #tpu.memory_space<vmem>>) dst(%dma_wait3A_273 : memref<10112x64xf32, #tpu.memory_space<vmem_shared>>)
      %add3A_274 = arith.constant 3 : i32
      %add3A_275 = arith.addi %add3A_155, %add3A_274 : i32
      %add3A_276 = arith.constant 2 : i32
      %add3A_277 = arith.addi %add3A_275, %add3A_276 : i32
      %dma_start3A_278 = arith.constant 0 : i32
      %dma_start3A_279 = tpu.memref_slice %arg6[%add3A_277, %dma_start3A_278] : memref<80x128xi32, #tpu.memory_space<vmem>> -> memref<1x128xi32, #tpu.memory_space<vmem>>
      %dma_start3A_280 = tpu.memref_squeeze %dma_start3A_279 : memref<1x128xi32, #tpu.memory_space<vmem>> -> memref<128xi32, #tpu.memory_space<vmem>>
      %dma_start3A_281 = arith.constant 0 : i32
      %dma_start3A_282 = arith.constant 0 : i32
      %dma_start3A_283 = tpu.memref_slice %arg2[%dma_start3A_281, %dma_start3A_282] : memref<10000x64xf32, #tpu.memory_space<hbm>> -> memref<10000x64xf32, #tpu.memory_space<hbm>>
      tpu.enqueue_indirect_dma source(%dma_start3A_283 : memref<10000x64xf32, #tpu.memory_space<hbm>>) target(%arg11 : memref<128x64xf32, #tpu.memory_space<vmem>>) offsets(%dma_start3A_280 : memref<128xi32, #tpu.memory_space<vmem>>) semaphore(%arg16 : memref<!tpu.dma_semaphore, #tpu.memory_space<semaphore_mem>>)
    }
    %scan3A_89 = arith.constant 19 : i32
    %dma_wait3A_90 = arith.constant 0 : i32
    %dma_wait3A_91 = arith.constant 0 : i32
    %dma_wait3A_92 = tpu.memref_slice %arg6[%dma_wait3A_90, %dma_wait3A_91] : memref<80x128xi32, #tpu.memory_space<vmem>> -> memref<1x128xi32, #tpu.memory_space<vmem>>
    %dma_wait3A_93 = tpu.memref_squeeze %dma_wait3A_92 : memref<1x128xi32, #tpu.memory_space<vmem>> -> memref<128xi32, #tpu.memory_space<vmem>>
    %dma_wait3A_94 = arith.constant 0 : i32
    %dma_wait3A_95 = arith.constant 0 : i32
    %dma_wait3A_96 = tpu.memref_slice %arg2[%dma_wait3A_94, %dma_wait3A_95] : memref<10000x64xf32, #tpu.memory_space<hbm>> -> memref<10000x64xf32, #tpu.memory_space<hbm>>
    tpu.wait_indirect_dma semaphore(%arg15 : memref<!tpu.dma_semaphore, #tpu.memory_space<semaphore_mem>>) src(%dma_wait3A_96 : memref<10000x64xf32, #tpu.memory_space<hbm>>) dst(%arg10 : memref<128x64xf32, #tpu.memory_space<vmem>>)
    %dma_start3A_97 = arith.constant 78 : i32
    %dma_start3A_98 = arith.constant 0 : i32
    %dma_start3A_99 = tpu.memref_slice %arg7[%dma_start3A_97, %dma_start3A_98] : memref<80x128xi32, #tpu.memory_space<vmem>> -> memref<1x128xi32, #tpu.memory_space<vmem>>
    %dma_start3A_100 = tpu.memref_squeeze %dma_start3A_99 : memref<1x128xi32, #tpu.memory_space<vmem>> -> memref<128xi32, #tpu.memory_space<vmem>>
    %dma_start3A_101 = arith.constant 0 : i32
    %dma_start3A_102 = arith.constant 0 : i32
    %dma_start3A_103 = tpu.memref_slice %arg12[%dma_start3A_101, %dma_start3A_102] : memref<10112x64xf32, #tpu.memory_space<vmem_shared>> -> memref<10112x64xf32, #tpu.memory_space<vmem_shared>>
    tpu.enqueue_indirect_dma source(%arg10 : memref<128x64xf32, #tpu.memory_space<vmem>>) target(%dma_start3A_103 : memref<10112x64xf32, #tpu.memory_space<vmem_shared>>) offsets(%dma_start3A_100 : memref<128xi32, #tpu.memory_space<vmem>>) semaphore(%arg19 : memref<!tpu.dma_semaphore, #tpu.memory_space<semaphore_mem>>) {add = true}
    %dma_wait3A_104 = arith.constant 0 : i32
    %dma_wait3A_105 = arith.constant 0 : i32
    %dma_wait3A_106 = tpu.memref_slice %arg6[%dma_wait3A_104, %dma_wait3A_105] : memref<80x128xi32, #tpu.memory_space<vmem>> -> memref<1x128xi32, #tpu.memory_space<vmem>>
    %dma_wait3A_107 = tpu.memref_squeeze %dma_wait3A_106 : memref<1x128xi32, #tpu.memory_space<vmem>> -> memref<128xi32, #tpu.memory_space<vmem>>
    %dma_wait3A_108 = arith.constant 0 : i32
    %dma_wait3A_109 = arith.constant 0 : i32
    %dma_wait3A_110 = tpu.memref_slice %arg2[%dma_wait3A_108, %dma_wait3A_109] : memref<10000x64xf32, #tpu.memory_space<hbm>> -> memref<10000x64xf32, #tpu.memory_space<hbm>>
    tpu.wait_indirect_dma semaphore(%arg16 : memref<!tpu.dma_semaphore, #tpu.memory_space<semaphore_mem>>) src(%dma_wait3A_110 : memref<10000x64xf32, #tpu.memory_space<hbm>>) dst(%arg11 : memref<128x64xf32, #tpu.memory_space<vmem>>)
    %dma_start3A_111 = arith.constant 79 : i32
    %dma_start3A_112 = arith.constant 0 : i32
    %dma_start3A_113 = tpu.memref_slice %arg7[%dma_start3A_111, %dma_start3A_112] : memref<80x128xi32, #tpu.memory_space<vmem>> -> memref<1x128xi32, #tpu.memory_space<vmem>>
    %dma_start3A_114 = tpu.memref_squeeze %dma_start3A_113 : memref<1x128xi32, #tpu.memory_space<vmem>> -> memref<128xi32, #tpu.memory_space<vmem>>
    %dma_start3A_115 = arith.constant 0 : i32
    %dma_start3A_116 = arith.constant 0 : i32
    %dma_start3A_117 = tpu.memref_slice %arg12[%dma_start3A_115, %dma_start3A_116] : memref<10112x64xf32, #tpu.memory_space<vmem_shared>> -> memref<10112x64xf32, #tpu.memory_space<vmem_shared>>
    tpu.enqueue_indirect_dma source(%arg11 : memref<128x64xf32, #tpu.memory_space<vmem>>) target(%dma_start3A_117 : memref<10112x64xf32, #tpu.memory_space<vmem_shared>>) offsets(%dma_start3A_114 : memref<128xi32, #tpu.memory_space<vmem>>) semaphore(%arg20 : memref<!tpu.dma_semaphore, #tpu.memory_space<semaphore_mem>>) {add = true}
    %dma_wait3A_118 = arith.constant 0 : i32
    %dma_wait3A_119 = arith.constant 0 : i32
    %dma_wait3A_120 = tpu.memref_slice %arg7[%dma_wait3A_118, %dma_wait3A_119] : memref<80x128xi32, #tpu.memory_space<vmem>> -> memref<1x128xi32, #tpu.memory_space<vmem>>
    %dma_wait3A_121 = tpu.memref_squeeze %dma_wait3A_120 : memref<1x128xi32, #tpu.memory_space<vmem>> -> memref<128xi32, #tpu.memory_space<vmem>>
    %dma_wait3A_122 = arith.constant 0 : i32
    %dma_wait3A_123 = arith.constant 0 : i32
    %dma_wait3A_124 = tpu.memref_slice %arg12[%dma_wait3A_122, %dma_wait3A_123] : memref<10112x64xf32, #tpu.memory_space<vmem_shared>> -> memref<10112x64xf32, #tpu.memory_space<vmem_shared>>
    tpu.wait_indirect_dma semaphore(%arg17 : memref<!tpu.dma_semaphore, #tpu.memory_space<semaphore_mem>>) src(%arg8 : memref<128x64xf32, #tpu.memory_space<vmem>>) dst(%dma_wait3A_124 : memref<10112x64xf32, #tpu.memory_space<vmem_shared>>)
    %dma_wait3A_125 = arith.constant 0 : i32
    %dma_wait3A_126 = arith.constant 0 : i32
    %dma_wait3A_127 = tpu.memref_slice %arg7[%dma_wait3A_125, %dma_wait3A_126] : memref<80x128xi32, #tpu.memory_space<vmem>> -> memref<1x128xi32, #tpu.memory_space<vmem>>
    %dma_wait3A_128 = tpu.memref_squeeze %dma_wait3A_127 : memref<1x128xi32, #tpu.memory_space<vmem>> -> memref<128xi32, #tpu.memory_space<vmem>>
    %dma_wait3A_129 = arith.constant 0 : i32
    %dma_wait3A_130 = arith.constant 0 : i32
    %dma_wait3A_131 = tpu.memref_slice %arg12[%dma_wait3A_129, %dma_wait3A_130] : memref<10112x64xf32, #tpu.memory_space<vmem_shared>> -> memref<10112x64xf32, #tpu.memory_space<vmem_shared>>
    tpu.wait_indirect_dma semaphore(%arg18 : memref<!tpu.dma_semaphore, #tpu.memory_space<semaphore_mem>>) src(%arg9 : memref<128x64xf32, #tpu.memory_space<vmem>>) dst(%dma_wait3A_131 : memref<10112x64xf32, #tpu.memory_space<vmem_shared>>)
    %dma_wait3A_132 = arith.constant 0 : i32
    %dma_wait3A_133 = arith.constant 0 : i32
    %dma_wait3A_134 = tpu.memref_slice %arg7[%dma_wait3A_132, %dma_wait3A_133] : memref<80x128xi32, #tpu.memory_space<vmem>> -> memref<1x128xi32, #tpu.memory_space<vmem>>
    %dma_wait3A_135 = tpu.memref_squeeze %dma_wait3A_134 : memref<1x128xi32, #tpu.memory_space<vmem>> -> memref<128xi32, #tpu.memory_space<vmem>>
    %dma_wait3A_136 = arith.constant 0 : i32
    %dma_wait3A_137 = arith.constant 0 : i32
    %dma_wait3A_138 = tpu.memref_slice %arg12[%dma_wait3A_136, %dma_wait3A_137] : memref<10112x64xf32, #tpu.memory_space<vmem_shared>> -> memref<10112x64xf32, #tpu.memory_space<vmem_shared>>
    tpu.wait_indirect_dma semaphore(%arg19 : memref<!tpu.dma_semaphore, #tpu.memory_space<semaphore_mem>>) src(%arg10 : memref<128x64xf32, #tpu.memory_space<vmem>>) dst(%dma_wait3A_138 : memref<10112x64xf32, #tpu.memory_space<vmem_shared>>)
    %dma_wait3A_139 = arith.constant 0 : i32
    %dma_wait3A_140 = arith.constant 0 : i32
    %dma_wait3A_141 = tpu.memref_slice %arg7[%dma_wait3A_139, %dma_wait3A_140] : memref<80x128xi32, #tpu.memory_space<vmem>> -> memref<1x128xi32, #tpu.memory_space<vmem>>
    %dma_wait3A_142 = tpu.memref_squeeze %dma_wait3A_141 : memref<1x128xi32, #tpu.memory_space<vmem>> -> memref<128xi32, #tpu.memory_space<vmem>>
    %dma_wait3A_143 = arith.constant 0 : i32
    %dma_wait3A_144 = arith.constant 0 : i32
    %dma_wait3A_145 = tpu.memref_slice %arg12[%dma_wait3A_143, %dma_wait3A_144] : memref<10112x64xf32, #tpu.memory_space<vmem_shared>> -> memref<10112x64xf32, #tpu.memory_space<vmem_shared>>
    tpu.wait_indirect_dma semaphore(%arg20 : memref<!tpu.dma_semaphore, #tpu.memory_space<semaphore_mem>>) src(%arg11 : memref<128x64xf32, #tpu.memory_space<vmem>>) dst(%dma_wait3A_145 : memref<10112x64xf32, #tpu.memory_space<vmem_shared>>)
    %barrier3A_146 = arith.constant 0 : index
    tpu.barrier barrier_id(%barrier3A_146)
    %mul3A_147 = arith.constant 632 : i32
    %mul3A_148 = arith.muli %arg1, %mul3A_147 : i32
    %mul3A_149 = arith.constant 632 : i32
    %mul3A_150 = arith.muli %arg1, %mul3A_149 : i32
    "tpu.region"() ({
      %run_scoped3A = tpu.sem_alloc : memref<!tpu.dma_semaphore, #tpu.memory_space<semaphore_mem>>
      %dma_start3A_151 = arith.constant 0 : i32
      %dma_start3A_152 = tpu.memref_slice %arg5[%arg0, %mul3A_150, %dma_start3A_151] : memref<2x10112x64xf32, #tpu.memory_space<hbm>> -> memref<1x632x64xf32, #tpu.memory_space<hbm>>
      %dma_start3A_153 = tpu.memref_squeeze %dma_start3A_152 : memref<1x632x64xf32, #tpu.memory_space<hbm>> -> memref<632x64xf32, #tpu.memory_space<hbm>>
      %dma_start3A_154 = arith.constant 0 : i32
      %dma_start3A_155 = tpu.memref_slice %arg12[%mul3A_148, %dma_start3A_154] : memref<10112x64xf32, #tpu.memory_space<vmem_shared>> -> memref<632x64xf32, #tpu.memory_space<vmem_shared>>
      tpu.enqueue_dma source(%dma_start3A_155 : memref<632x64xf32, #tpu.memory_space<vmem_shared>>) target(%dma_start3A_153 : memref<632x64xf32, #tpu.memory_space<hbm>>) target_semaphore(%run_scoped3A : memref<!tpu.dma_semaphore, #tpu.memory_space<semaphore_mem>>)
      %dma_wait3A_156 = arith.constant 0 : i32
      %dma_wait3A_157 = tpu.memref_slice %arg5[%arg0, %mul3A_150, %dma_wait3A_156] : memref<2x10112x64xf32, #tpu.memory_space<hbm>> -> memref<1x632x64xf32, #tpu.memory_space<hbm>>
      %dma_wait3A_158 = tpu.memref_squeeze %dma_wait3A_157 : memref<1x632x64xf32, #tpu.memory_space<hbm>> -> memref<632x64xf32, #tpu.memory_space<hbm>>
      %dma_wait3A_159 = arith.constant 0 : i32
      %dma_wait3A_160 = tpu.memref_slice %arg12[%mul3A_148, %dma_wait3A_159] : memref<10112x64xf32, #tpu.memory_space<vmem_shared>> -> memref<632x64xf32, #tpu.memory_space<vmem_shared>>
      tpu.wait_dma2 semaphore(%run_scoped3A : memref<!tpu.dma_semaphore, #tpu.memory_space<semaphore_mem>>) src(%dma_wait3A_160 : memref<632x64xf32, #tpu.memory_space<vmem_shared>>) dst(%dma_wait3A_158 : memref<632x64xf32, #tpu.memory_space<hbm>>)
      tpu.yield
    }) : () -> ()
    return
  }
}

module attributes {stable_mosaic.version = 14 : i64} {
  func.func @_pre_b_body(%arg0: i32, %arg1: memref<2000x128xf32, #tpu.memory_space<vmem>>, %arg2: memref<2000x64xf32, #tpu.memory_space<vmem>>, %arg3: memref<128x64xf32, #tpu.memory_space<vmem>>, %arg4: memref<1x64xf32, #tpu.memory_space<vmem>>, %arg5: memref<2000x64xf32, #tpu.memory_space<vmem>>) attributes {dimension_semantics = [#tpu.dimension_semantics<arbitrary>], iteration_bounds = array<i64: 5>, scalar_prefetch = 0 : i64, scratch_operands = 0 : i64, tpu.core_type = #tpu.core_type<tc>, window_params = [{transform_indices = @transform_0, window_bounds = array<i64: 2000, 128>}, {transform_indices = @transform_1, window_bounds = array<i64: 2000, 64>}, {pipeline_mode = #tpu.pipeline_mode<synchronous>, transform_indices = @transform_2, window_bounds = array<i64: 128, 64>}, {pipeline_mode = #tpu.pipeline_mode<synchronous>, transform_indices = @transform_3, window_bounds = array<i64: 1, 64>}, {transform_indices = @transform_4, window_bounds = array<i64: 2000, 64>}]} {
    %get3A = arith.constant 0 : index
    %get3A_0 = arith.constant 0 : index
    %get3A_1 = vector.load %arg1[%get3A, %get3A_0] : memref<2000x128xf32, #tpu.memory_space<vmem>>, vector<2000x128xf32>
    %mul3A = arith.mulf %get3A_1, %get3A_1 : vector<2000x128xf32>
    %reduce_sum3A = arith.constant dense<0.000000e+00> : vector<2000xf32>
    %reduce_sum3A_2 = vector.multi_reduction <add>, %mul3A, %reduce_sum3A [1] : vector<2000x128xf32> to vector<2000xf32>
    %broadcast_in_dim3A = vector.shape_cast %reduce_sum3A_2 : vector<2000xf32> to vector<2000x1xf32>
    %sqrt3A = math.sqrt %broadcast_in_dim3A : vector<2000x1xf32>
    %max3A = arith.constant 9.99999996E-13 : f32
    %max3A_3 = vector.broadcast %max3A : f32 to vector<2000x1xf32>
    %max3A_4 = arith.maximumf %sqrt3A, %max3A_3 : vector<2000x1xf32>
    %div3A = vector.broadcast %max3A_4 : vector<2000x1xf32> to vector<2000x128xf32>
    %div3A_5 = arith.divf %get3A_1, %div3A : vector<2000x128xf32>
    %get3A_6 = arith.constant 0 : index
    %get3A_7 = arith.constant 0 : index
    %get3A_8 = vector.load %arg3[%get3A_6, %get3A_7] : memref<128x64xf32, #tpu.memory_space<vmem>>, vector<128x64xf32>
    %dot_general3A = arith.constant dense<0.000000e+00> : vector<2000x64xf32>
    %dot_general3A_9 = tpu.matmul %div3A_5, %get3A_8, %dot_general3A {dimension_numbers = #tpu.dot_dimension_numbers<[1], [0], [0], [1], [0, 0, 1, 1], [], []>, transpose_lhs_hint = false} : vector<2000x128xf32>, vector<128x64xf32>, vector<2000x64xf32> -> vector<2000x64xf32>
    %get3A_10 = arith.constant 0 : index
    %get3A_11 = arith.constant 0 : index
    %get3A_12 = vector.load %arg4[%get3A_10, %get3A_11] : memref<1x64xf32, #tpu.memory_space<vmem>>, vector<1x64xf32>
    %add3A = vector.broadcast %get3A_12 : vector<1x64xf32> to vector<2000x64xf32>
    %add3A_13 = arith.addf %dot_general3A_9, %add3A : vector<2000x64xf32>
    %ge3A = arith.constant 0.000000e+00 : f32
    %ge3A_14 = vector.broadcast %ge3A : f32 to vector<2000x64xf32>
    %ge3A_15 = arith.cmpf oge, %add3A_13, %ge3A_14 : vector<2000x64xf32>
    %mul3A_16 = arith.constant 0.00999999977 : f32
    %mul3A_17 = vector.broadcast %mul3A_16 : f32 to vector<2000x64xf32>
    %mul3A_18 = arith.mulf %mul3A_17, %add3A_13 : vector<2000x64xf32>
    %select_n3A = arith.select %ge3A_15, %add3A_13, %mul3A_18 : vector<2000x64xi1>, vector<2000x64xf32>
    %get3A_19 = arith.constant 0 : index
    %get3A_20 = arith.constant 0 : index
    %get3A_21 = vector.load %arg2[%get3A_19, %get3A_20] : memref<2000x64xf32, #tpu.memory_space<vmem>>, vector<2000x64xf32>
    %add3A_22 = arith.addf %select_n3A, %get3A_21 : vector<2000x64xf32>
    %swap3A = arith.constant 0 : index
    %swap3A_23 = arith.constant 0 : index
    %swap3A_24 = vector.load %arg5[%swap3A, %swap3A_23] : memref<2000x64xf32, #tpu.memory_space<vmem>>, vector<2000x64xf32>
    tpu.vector_store %arg5[%swap3A, %swap3A_23], %add3A_22 {strides = array<i32>} : memref<2000x64xf32, #tpu.memory_space<vmem>>, vector<2000x64xf32>,
    return
  }
  func.func @transform_0(%arg0: i32) -> (i32, i32) {
    %c0_i32 = arith.constant 0 : i32
    %c0_i32_0 = arith.constant 0 : i32
    return %arg0, %c0_i32 : i32, i32
  }
  func.func @transform_1(%arg0: i32) -> (i32, i32) {
    %c0_i32 = arith.constant 0 : i32
    %c0_i32_0 = arith.constant 0 : i32
    return %arg0, %c0_i32 : i32, i32
  }
  func.func @transform_2(%arg0: i32) -> (i32, i32) {
    %c0_i32 = arith.constant 0 : i32
    %c0_i32_0 = arith.constant 0 : i32
    %c0_i32_1 = arith.constant 0 : i32
    return %c0_i32, %c0_i32_0 : i32, i32
  }
  func.func @transform_3(%arg0: i32) -> (i32, i32) {
    %c0_i32 = arith.constant 0 : i32
    %c0_i32_0 = arith.constant 0 : i32
    %c0_i32_1 = arith.constant 0 : i32
    return %c0_i32, %c0_i32_0 : i32, i32
  }
  func.func @transform_4(%arg0: i32) -> (i32, i32) {
    %c0_i32 = arith.constant 0 : i32
    %c0_i32_0 = arith.constant 0 : i32
    return %arg0, %c0_i32 : i32, i32
  }
}

module attributes {stable_mosaic.version = 14 : i64} {
  func.func @_pre_a_body(%arg0: i32, %arg1: memref<2000x128xf32, #tpu.memory_space<vmem>>, %arg2: memref<128x128xf32, #tpu.memory_space<vmem>>, %arg3: memref<2x65536xi32, #tpu.memory_space<vmem>>, %arg4: memref<2000x128xf32, #tpu.memory_space<vmem>>, %arg5: memref<512x128xi32, #tpu.memory_space<vmem>>, %arg6: memref<512x128xi32, #tpu.memory_space<vmem>>) attributes {dimension_semantics = [#tpu.dimension_semantics<arbitrary>], iteration_bounds = array<i64: 5>, scalar_prefetch = 0 : i64, scratch_operands = 0 : i64, tpu.core_type = #tpu.core_type<tc>, window_params = [{transform_indices = @transform_0, window_bounds = array<i64: 2000, 128>}, {pipeline_mode = #tpu.pipeline_mode<synchronous>, transform_indices = @transform_1, window_bounds = array<i64: 128, 128>}, {transform_indices = @transform_2, window_bounds = array<i64: 2, 65536>}, {transform_indices = @transform_3, window_bounds = array<i64: 2000, 128>}, {transform_indices = @transform_4, window_bounds = array<i64: 512, 128>}, {transform_indices = @transform_5, window_bounds = array<i64: 512, 128>}]} {
    %get3A = arith.constant 0 : index
    %get3A_0 = arith.constant 0 : index
    %get3A_1 = vector.load %arg1[%get3A, %get3A_0] : memref<2000x128xf32, #tpu.memory_space<vmem>>, vector<2000x128xf32>
    %mul3A = arith.mulf %get3A_1, %get3A_1 : vector<2000x128xf32>
    %reduce_sum3A = arith.constant dense<0.000000e+00> : vector<2000xf32>
    %reduce_sum3A_2 = vector.multi_reduction <add>, %mul3A, %reduce_sum3A [1] : vector<2000x128xf32> to vector<2000xf32>
    %broadcast_in_dim3A = vector.shape_cast %reduce_sum3A_2 : vector<2000xf32> to vector<2000x1xf32>
    %sqrt3A = math.sqrt %broadcast_in_dim3A : vector<2000x1xf32>
    %max3A = arith.constant 9.99999996E-13 : f32
    %max3A_3 = vector.broadcast %max3A : f32 to vector<2000x1xf32>
    %max3A_4 = arith.maximumf %sqrt3A, %max3A_3 : vector<2000x1xf32>
    %div3A = vector.broadcast %max3A_4 : vector<2000x1xf32> to vector<2000x128xf32>
    %div3A_5 = arith.divf %get3A_1, %div3A : vector<2000x128xf32>
    %get3A_6 = arith.constant 0 : index
    %get3A_7 = arith.constant 0 : index
    %get3A_8 = vector.load %arg2[%get3A_6, %get3A_7] : memref<128x128xf32, #tpu.memory_space<vmem>>, vector<128x128xf32>
    %dot_general3A = arith.constant dense<0.000000e+00> : vector<2000x128xf32>
    %dot_general3A_9 = tpu.matmul %div3A_5, %get3A_8, %dot_general3A {dimension_numbers = #tpu.dot_dimension_numbers<[1], [0], [0], [1], [0, 0, 1, 1], [], []>, transpose_lhs_hint = false} : vector<2000x128xf32>, vector<128x128xf32>, vector<2000x128xf32> -> vector<2000x128xf32>
    %swap3A = arith.constant 0 : index
    %swap3A_10 = arith.constant 0 : index
    %swap3A_11 = vector.load %arg4[%swap3A, %swap3A_10] : memref<2000x128xf32, #tpu.memory_space<vmem>>, vector<2000x128xf32>
    tpu.vector_store %arg4[%swap3A, %swap3A_10], %dot_general3A_9 {strides = array<i32>} : memref<2000x128xf32, #tpu.memory_space<vmem>>, vector<2000x128xf32>,
    %mul3A_12 = arith.constant 65536 : i32
    %mul3A_13 = arith.muli %arg0, %mul3A_12 : i32
    %iota3A = tpu.iota {dimensions = array<i32: 0>} : vector<512x128xi32>
    %mul3A_14 = arith.constant 128 : i32
    %mul3A_15 = vector.broadcast %mul3A_14 : i32 to vector<512x128xi32>
    %mul3A_16 = arith.muli %iota3A, %mul3A_15 : vector<512x128xi32>
    %add3A = vector.broadcast %mul3A_13 : i32 to vector<512x128xi32>
    %add3A_17 = arith.addi %add3A, %mul3A_16 : vector<512x128xi32>
    %iota3A_18 = tpu.iota {dimensions = array<i32: 1>} : vector<512x128xi32>
    %add3A_19 = arith.addi %add3A_17, %iota3A_18 : vector<512x128xi32>
    %lt3A = arith.constant 320000 : i32
    %lt3A_20 = vector.broadcast %lt3A : i32 to vector<512x128xi32>
    %lt3A_21 = arith.cmpi slt, %add3A_19, %lt3A_20 : vector<512x128xi32>
    %get3A_22 = arith.constant 0 : index
    %get3A_23 = arith.constant 0 : index
    %get3A_24 = vector.load %arg3[%get3A_22, %get3A_23] : memref<2x65536xi32, #tpu.memory_space<vmem>>, vector<1x65536xi32>
    %get3A_25 = vector.shape_cast %get3A_24 : vector<1x65536xi32> to vector<65536xi32>
    %reshape3A = vector.shape_cast %get3A_25 : vector<65536xi32> to vector<512x128xi32>
    %get3A_26 = arith.constant 1 : index
    %get3A_27 = arith.constant 0 : index
    %get3A_28 = vector.load %arg3[%get3A_26, %get3A_27] : memref<2x65536xi32, #tpu.memory_space<vmem>>, vector<1x65536xi32>
    %get3A_29 = vector.shape_cast %get3A_28 : vector<1x65536xi32> to vector<65536xi32>
    %reshape3A_30 = vector.shape_cast %get3A_29 : vector<65536xi32> to vector<512x128xi32>
    %sub3A = arith.constant 320000 : i32
    %sub3A_31 = vector.broadcast %sub3A : i32 to vector<512x128xi32>
    %sub3A_32 = arith.subi %add3A_19, %sub3A_31 : vector<512x128xi32>
    %select_n3A = arith.select %lt3A_21, %reshape3A, %sub3A_32 : vector<512x128xi1>, vector<512x128xi32>
    %swap3A_33 = arith.constant 0 : index
    %swap3A_34 = arith.constant 0 : index
    %swap3A_35 = vector.load %arg5[%swap3A_33, %swap3A_34] : memref<512x128xi32, #tpu.memory_space<vmem>>, vector<512x128xi32>
    tpu.vector_store %arg5[%swap3A_33, %swap3A_34], %select_n3A {strides = array<i32>} : memref<512x128xi32, #tpu.memory_space<vmem>>, vector<512x128xi32>,
    %sub3A_36 = arith.constant 320000 : i32
    %sub3A_37 = vector.broadcast %sub3A_36 : i32 to vector<512x128xi32>
    %sub3A_38 = arith.subi %add3A_19, %sub3A_37 : vector<512x128xi32>
    %and3A = arith.constant 15 : i32
    %and3A_39 = vector.broadcast %and3A : i32 to vector<512x128xi32>
    %and3A_40 = arith.andi %sub3A_38, %and3A_39 : vector<512x128xi32>
    %add3A_41 = arith.constant 10000 : i32
    %add3A_42 = vector.broadcast %add3A_41 : i32 to vector<512x128xi32>
    %add3A_43 = arith.addi %add3A_42, %and3A_40 : vector<512x128xi32>
    %select_n3A_44 = arith.select %lt3A_21, %reshape3A_30, %add3A_43 : vector<512x128xi1>, vector<512x128xi32>
    %swap3A_45 = arith.constant 0 : index
    %swap3A_46 = arith.constant 0 : index
    %swap3A_47 = vector.load %arg6[%swap3A_45, %swap3A_46] : memref<512x128xi32, #tpu.memory_space<vmem>>, vector<512x128xi32>
    tpu.vector_store %arg6[%swap3A_45, %swap3A_46], %select_n3A_44 {strides = array<i32>} : memref<512x128xi32, #tpu.memory_space<vmem>>, vector<512x128xi32>,
    return
  }
  func.func @transform_0(%arg0: i32) -> (i32, i32) {
    %c0_i32 = arith.constant 0 : i32
    %c0_i32_0 = arith.constant 0 : i32
    return %arg0, %c0_i32 : i32, i32
  }
  func.func @transform_1(%arg0: i32) -> (i32, i32) {
    %c0_i32 = arith.constant 0 : i32
    %c0_i32_0 = arith.constant 0 : i32
    %c0_i32_1 = arith.constant 0 : i32
    return %c0_i32, %c0_i32_0 : i32, i32
  }
  func.func @transform_2(%arg0: i32) -> (i32, i32) {
    %c0_i32 = arith.constant 0 : i32
    %c0_i32_0 = arith.constant 0 : i32
    return %c0_i32, %arg0 : i32, i32
  }
  func.func @transform_3(%arg0: i32) -> (i32, i32) {
    %c0_i32 = arith.constant 0 : i32
    %c0_i32_0 = arith.constant 0 : i32
    return %arg0, %c0_i32 : i32, i32
  }
  func.func @transform_4(%arg0: i32) -> (i32, i32) {
    %c0_i32 = arith.constant 0 : i32
    %c0_i32_0 = arith.constant 0 : i32
    return %arg0, %c0_i32 : i32, i32
  }
  func.func @transform_5(%arg0: i32) -> (i32, i32) {
    %c0_i32 = arith.constant 0 : i32
    %c0_i32_0 = arith.constant 0 : i32
    return %arg0, %c0_i32 : i32, i32
  }
}

module attributes {stable_mosaic.version = 14 : i64} {
  func.func @_mid_a_body(%arg0: i32, %arg1: memref<1x2000x128xf32, #tpu.memory_space<vmem>>, %arg2: memref<1x2000x128xf32, #tpu.memory_space<vmem>>, %arg3: memref<2000x64xf32, #tpu.memory_space<vmem>>, %arg4: memref<128x64xf32, #tpu.memory_space<vmem>>, %arg5: memref<1x64xf32, #tpu.memory_space<vmem>>, %arg6: memref<64x64xf32, #tpu.memory_space<vmem>>, %arg7: memref<2000x64xf32, #tpu.memory_space<vmem>>, %arg8: memref<2000x64xf32, #tpu.memory_space<vmem>>) attributes {dimension_semantics = [#tpu.dimension_semantics<arbitrary>], iteration_bounds = array<i64: 5>, scalar_prefetch = 0 : i64, scratch_operands = 0 : i64, tpu.core_type = #tpu.core_type<tc>, window_params = [{transform_indices = @transform_0, window_bounds = array<i64: 1, 2000, 128>}, {transform_indices = @transform_1, window_bounds = array<i64: 1, 2000, 128>}, {transform_indices = @transform_2, window_bounds = array<i64: 2000, 64>}, {pipeline_mode = #tpu.pipeline_mode<synchronous>, transform_indices = @transform_3, window_bounds = array<i64: 128, 64>}, {pipeline_mode = #tpu.pipeline_mode<synchronous>, transform_indices = @transform_4, window_bounds = array<i64: 1, 64>}, {pipeline_mode = #tpu.pipeline_mode<synchronous>, transform_indices = @transform_5, window_bounds = array<i64: 64, 64>}, {transform_indices = @transform_6, window_bounds = array<i64: 2000, 64>}, {transform_indices = @transform_7, window_bounds = array<i64: 2000, 64>}]} {
    %get3A = arith.constant 0 : index
    %get3A_0 = arith.constant 0 : index
    %get3A_1 = arith.constant 0 : index
    %get3A_2 = vector.load %arg1[%get3A, %get3A_0, %get3A_1] : memref<1x2000x128xf32, #tpu.memory_space<vmem>>, vector<1x2000x128xf32>
    %get3A_3 = vector.shape_cast %get3A_2 : vector<1x2000x128xf32> to vector<2000x128xf32>
    %get3A_4 = arith.constant 0 : index
    %get3A_5 = arith.constant 0 : index
    %get3A_6 = arith.constant 0 : index
    %get3A_7 = vector.load %arg2[%get3A_4, %get3A_5, %get3A_6] : memref<1x2000x128xf32, #tpu.memory_space<vmem>>, vector<1x2000x128xf32>
    %get3A_8 = vector.shape_cast %get3A_7 : vector<1x2000x128xf32> to vector<2000x128xf32>
    %add3A = arith.addf %get3A_3, %get3A_8 : vector<2000x128xf32>
    %ge3A = arith.constant 0.000000e+00 : f32
    %ge3A_9 = vector.broadcast %ge3A : f32 to vector<2000x128xf32>
    %ge3A_10 = arith.cmpf oge, %add3A, %ge3A_9 : vector<2000x128xf32>
    %mul3A = arith.constant 0.00999999977 : f32
    %mul3A_11 = vector.broadcast %mul3A : f32 to vector<2000x128xf32>
    %mul3A_12 = arith.mulf %mul3A_11, %add3A : vector<2000x128xf32>
    %select_n3A = arith.select %ge3A_10, %add3A, %mul3A_12 : vector<2000x128xi1>, vector<2000x128xf32>
    %get3A_13 = arith.constant 0 : index
    %get3A_14 = arith.constant 0 : index
    %get3A_15 = vector.load %arg4[%get3A_13, %get3A_14] : memref<128x64xf32, #tpu.memory_space<vmem>>, vector<128x64xf32>
    %dot_general3A = arith.constant dense<0.000000e+00> : vector<2000x64xf32>
    %dot_general3A_16 = tpu.matmul %select_n3A, %get3A_15, %dot_general3A {dimension_numbers = #tpu.dot_dimension_numbers<[1], [0], [0], [1], [0, 0, 1, 1], [], []>, transpose_lhs_hint = false} : vector<2000x128xf32>, vector<128x64xf32>, vector<2000x64xf32> -> vector<2000x64xf32>
    %get3A_17 = arith.constant 0 : index
    %get3A_18 = arith.constant 0 : index
    %get3A_19 = vector.load %arg5[%get3A_17, %get3A_18] : memref<1x64xf32, #tpu.memory_space<vmem>>, vector<1x64xf32>
    %add3A_20 = vector.broadcast %get3A_19 : vector<1x64xf32> to vector<2000x64xf32>
    %add3A_21 = arith.addf %dot_general3A_16, %add3A_20 : vector<2000x64xf32>
    %get3A_22 = arith.constant 0 : index
    %get3A_23 = arith.constant 0 : index
    %get3A_24 = vector.load %arg3[%get3A_22, %get3A_23] : memref<2000x64xf32, #tpu.memory_space<vmem>>, vector<2000x64xf32>
    %add3A_25 = arith.addf %add3A_21, %get3A_24 : vector<2000x64xf32>
    %ge3A_26 = arith.constant 0.000000e+00 : f32
    %ge3A_27 = vector.broadcast %ge3A_26 : f32 to vector<2000x64xf32>
    %ge3A_28 = arith.cmpf oge, %add3A_25, %ge3A_27 : vector<2000x64xf32>
    %mul3A_29 = arith.constant 0.00999999977 : f32
    %mul3A_30 = vector.broadcast %mul3A_29 : f32 to vector<2000x64xf32>
    %mul3A_31 = arith.mulf %mul3A_30, %add3A_25 : vector<2000x64xf32>
    %select_n3A_32 = arith.select %ge3A_28, %add3A_25, %mul3A_31 : vector<2000x64xi1>, vector<2000x64xf32>
    %get3A_33 = arith.constant 0 : index
    %get3A_34 = arith.constant 0 : index
    %get3A_35 = vector.load %arg6[%get3A_33, %get3A_34] : memref<64x64xf32, #tpu.memory_space<vmem>>, vector<64x64xf32>
    %dot_general3A_36 = arith.constant dense<0.000000e+00> : vector<2000x64xf32>
    %dot_general3A_37 = tpu.matmul %select_n3A_32, %get3A_35, %dot_general3A_36 {dimension_numbers = #tpu.dot_dimension_numbers<[1], [0], [0], [1], [0, 0, 1, 1], [], []>, transpose_lhs_hint = false} : vector<2000x64xf32>, vector<64x64xf32>, vector<2000x64xf32> -> vector<2000x64xf32>
    %swap3A = arith.constant 0 : index
    %swap3A_38 = arith.constant 0 : index
    %swap3A_39 = vector.load %arg7[%swap3A, %swap3A_38] : memref<2000x64xf32, #tpu.memory_space<vmem>>, vector<2000x64xf32>
    tpu.vector_store %arg7[%swap3A, %swap3A_38], %dot_general3A_37 {strides = array<i32>} : memref<2000x64xf32, #tpu.memory_space<vmem>>, vector<2000x64xf32>,
    %swap3A_40 = arith.constant 0 : index
    %swap3A_41 = arith.constant 0 : index
    %swap3A_42 = vector.load %arg8[%swap3A_40, %swap3A_41] : memref<2000x64xf32, #tpu.memory_space<vmem>>, vector<2000x64xf32>
    tpu.vector_store %arg8[%swap3A_40, %swap3A_41], %select_n3A_32 {strides = array<i32>} : memref<2000x64xf32, #tpu.memory_space<vmem>>, vector<2000x64xf32>,
    return
  }
  func.func @transform_0(%arg0: i32) -> (i32, i32, i32) {
    %c0_i32 = arith.constant 0 : i32
    %c0_i32_0 = arith.constant 0 : i32
    %c0_i32_1 = arith.constant 0 : i32
    return %c0_i32, %arg0, %c0_i32_0 : i32, i32, i32
  }
  func.func @transform_1(%arg0: i32) -> (i32, i32, i32) {
    %c1_i32 = arith.constant 1 : i32
    %c0_i32 = arith.constant 0 : i32
    %c0_i32_0 = arith.constant 0 : i32
    return %c1_i32, %arg0, %c0_i32 : i32, i32, i32
  }
  func.func @transform_2(%arg0: i32) -> (i32, i32) {
    %c0_i32 = arith.constant 0 : i32
    %c0_i32_0 = arith.constant 0 : i32
    return %arg0, %c0_i32 : i32, i32
  }
  func.func @transform_3(%arg0: i32) -> (i32, i32) {
    %c0_i32 = arith.constant 0 : i32
    %c0_i32_0 = arith.constant 0 : i32
    %c0_i32_1 = arith.constant 0 : i32
    return %c0_i32, %c0_i32_0 : i32, i32
  }
  func.func @transform_4(%arg0: i32) -> (i32, i32) {
    %c0_i32 = arith.constant 0 : i32
    %c0_i32_0 = arith.constant 0 : i32
    %c0_i32_1 = arith.constant 0 : i32
    return %c0_i32, %c0_i32_0 : i32, i32
  }
  func.func @transform_5(%arg0: i32) -> (i32, i32) {
    %c0_i32 = arith.constant 0 : i32
    %c0_i32_0 = arith.constant 0 : i32
    %c0_i32_1 = arith.constant 0 : i32
    return %c0_i32, %c0_i32_0 : i32, i32
  }
  func.func @transform_6(%arg0: i32) -> (i32, i32) {
    %c0_i32 = arith.constant 0 : i32
    %c0_i32_0 = arith.constant 0 : i32
    return %arg0, %c0_i32 : i32, i32
  }
  func.func @transform_7(%arg0: i32) -> (i32, i32) {
    %c0_i32 = arith.constant 0 : i32
    %c0_i32_0 = arith.constant 0 : i32
    return %arg0, %c0_i32 : i32, i32
  }
}

module attributes {stable_mosaic.version = 14 : i64} {
  func.func @_mid_b_body(%arg0: i32, %arg1: memref<2000x64xf32, #tpu.memory_space<vmem>>, %arg2: memref<2000x64xf32, #tpu.memory_space<vmem>>, %arg3: memref<64x64xf32, #tpu.memory_space<vmem>>, %arg4: memref<1x64xf32, #tpu.memory_space<vmem>>, %arg5: memref<2000x64xf32, #tpu.memory_space<vmem>>) attributes {dimension_semantics = [#tpu.dimension_semantics<arbitrary>], iteration_bounds = array<i64: 5>, scalar_prefetch = 0 : i64, scratch_operands = 0 : i64, tpu.core_type = #tpu.core_type<tc>, window_params = [{transform_indices = @transform_0, window_bounds = array<i64: 2000, 64>}, {transform_indices = @transform_1, window_bounds = array<i64: 2000, 64>}, {pipeline_mode = #tpu.pipeline_mode<synchronous>, transform_indices = @transform_2, window_bounds = array<i64: 64, 64>}, {pipeline_mode = #tpu.pipeline_mode<synchronous>, transform_indices = @transform_3, window_bounds = array<i64: 1, 64>}, {transform_indices = @transform_4, window_bounds = array<i64: 2000, 64>}]} {
    %get3A = arith.constant 0 : index
    %get3A_0 = arith.constant 0 : index
    %get3A_1 = vector.load %arg1[%get3A, %get3A_0] : memref<2000x64xf32, #tpu.memory_space<vmem>>, vector<2000x64xf32>
    %get3A_2 = arith.constant 0 : index
    %get3A_3 = arith.constant 0 : index
    %get3A_4 = vector.load %arg3[%get3A_2, %get3A_3] : memref<64x64xf32, #tpu.memory_space<vmem>>, vector<64x64xf32>
    %dot_general3A = arith.constant dense<0.000000e+00> : vector<2000x64xf32>
    %dot_general3A_5 = tpu.matmul %get3A_1, %get3A_4, %dot_general3A {dimension_numbers = #tpu.dot_dimension_numbers<[1], [0], [0], [1], [0, 0, 1, 1], [], []>, transpose_lhs_hint = false} : vector<2000x64xf32>, vector<64x64xf32>, vector<2000x64xf32> -> vector<2000x64xf32>
    %get3A_6 = arith.constant 0 : index
    %get3A_7 = arith.constant 0 : index
    %get3A_8 = vector.load %arg4[%get3A_6, %get3A_7] : memref<1x64xf32, #tpu.memory_space<vmem>>, vector<1x64xf32>
    %add3A = vector.broadcast %get3A_8 : vector<1x64xf32> to vector<2000x64xf32>
    %add3A_9 = arith.addf %dot_general3A_5, %add3A : vector<2000x64xf32>
    %ge3A = arith.constant 0.000000e+00 : f32
    %ge3A_10 = vector.broadcast %ge3A : f32 to vector<2000x64xf32>
    %ge3A_11 = arith.cmpf oge, %add3A_9, %ge3A_10 : vector<2000x64xf32>
    %mul3A = arith.constant 0.00999999977 : f32
    %mul3A_12 = vector.broadcast %mul3A : f32 to vector<2000x64xf32>
    %mul3A_13 = arith.mulf %mul3A_12, %add3A_9 : vector<2000x64xf32>
    %select_n3A = arith.select %ge3A_11, %add3A_9, %mul3A_13 : vector<2000x64xi1>, vector<2000x64xf32>
    %get3A_14 = arith.constant 0 : index
    %get3A_15 = arith.constant 0 : index
    %get3A_16 = vector.load %arg2[%get3A_14, %get3A_15] : memref<2000x64xf32, #tpu.memory_space<vmem>>, vector<2000x64xf32>
    %add3A_17 = arith.addf %select_n3A, %get3A_16 : vector<2000x64xf32>
    %swap3A = arith.constant 0 : index
    %swap3A_18 = arith.constant 0 : index
    %swap3A_19 = vector.load %arg5[%swap3A, %swap3A_18] : memref<2000x64xf32, #tpu.memory_space<vmem>>, vector<2000x64xf32>
    tpu.vector_store %arg5[%swap3A, %swap3A_18], %add3A_17 {strides = array<i32>} : memref<2000x64xf32, #tpu.memory_space<vmem>>, vector<2000x64xf32>,
    return
  }
  func.func @transform_0(%arg0: i32) -> (i32, i32) {
    %c0_i32 = arith.constant 0 : i32
    %c0_i32_0 = arith.constant 0 : i32
    return %arg0, %c0_i32 : i32, i32
  }
  func.func @transform_1(%arg0: i32) -> (i32, i32) {
    %c0_i32 = arith.constant 0 : i32
    %c0_i32_0 = arith.constant 0 : i32
    return %arg0, %c0_i32 : i32, i32
  }
  func.func @transform_2(%arg0: i32) -> (i32, i32) {
    %c0_i32 = arith.constant 0 : i32
    %c0_i32_0 = arith.constant 0 : i32
    %c0_i32_1 = arith.constant 0 : i32
    return %c0_i32, %c0_i32_0 : i32, i32
  }
  func.func @transform_3(%arg0: i32) -> (i32, i32) {
    %c0_i32 = arith.constant 0 : i32
    %c0_i32_0 = arith.constant 0 : i32
    %c0_i32_1 = arith.constant 0 : i32
    return %c0_i32, %c0_i32_0 : i32, i32
  }
  func.func @transform_4(%arg0: i32) -> (i32, i32) {
    %c0_i32 = arith.constant 0 : i32
    %c0_i32_0 = arith.constant 0 : i32
    return %arg0, %c0_i32 : i32, i32
  }
}

module attributes {stable_mosaic.version = 14 : i64} {
  func.func @_post_body(%arg0: i32, %arg1: memref<1x2000x64xf32, #tpu.memory_space<vmem>>, %arg2: memref<1x2000x64xf32, #tpu.memory_space<vmem>>, %arg3: memref<2000x64xf32, #tpu.memory_space<vmem>>, %arg4: memref<64x64xf32, #tpu.memory_space<vmem>>, %arg5: memref<1x64xf32, #tpu.memory_space<vmem>>, %arg6: memref<2000x64xf32, #tpu.memory_space<vmem>>) attributes {dimension_semantics = [#tpu.dimension_semantics<arbitrary>], iteration_bounds = array<i64: 5>, scalar_prefetch = 0 : i64, scratch_operands = 0 : i64, tpu.core_type = #tpu.core_type<tc>, window_params = [{transform_indices = @transform_0, window_bounds = array<i64: 1, 2000, 64>}, {transform_indices = @transform_1, window_bounds = array<i64: 1, 2000, 64>}, {transform_indices = @transform_2, window_bounds = array<i64: 2000, 64>}, {pipeline_mode = #tpu.pipeline_mode<synchronous>, transform_indices = @transform_3, window_bounds = array<i64: 64, 64>}, {pipeline_mode = #tpu.pipeline_mode<synchronous>, transform_indices = @transform_4, window_bounds = array<i64: 1, 64>}, {transform_indices = @transform_5, window_bounds = array<i64: 2000, 64>}]} {
    %get3A = arith.constant 0 : index
    %get3A_0 = arith.constant 0 : index
    %get3A_1 = arith.constant 0 : index
    %get3A_2 = vector.load %arg1[%get3A, %get3A_0, %get3A_1] : memref<1x2000x64xf32, #tpu.memory_space<vmem>>, vector<1x2000x64xf32>
    %get3A_3 = vector.shape_cast %get3A_2 : vector<1x2000x64xf32> to vector<2000x64xf32>
    %get3A_4 = arith.constant 0 : index
    %get3A_5 = arith.constant 0 : index
    %get3A_6 = arith.constant 0 : index
    %get3A_7 = vector.load %arg2[%get3A_4, %get3A_5, %get3A_6] : memref<1x2000x64xf32, #tpu.memory_space<vmem>>, vector<1x2000x64xf32>
    %get3A_8 = vector.shape_cast %get3A_7 : vector<1x2000x64xf32> to vector<2000x64xf32>
    %add3A = arith.addf %get3A_3, %get3A_8 : vector<2000x64xf32>
    %ge3A = arith.constant 0.000000e+00 : f32
    %ge3A_9 = vector.broadcast %ge3A : f32 to vector<2000x64xf32>
    %ge3A_10 = arith.cmpf oge, %add3A, %ge3A_9 : vector<2000x64xf32>
    %mul3A = arith.constant 0.00999999977 : f32
    %mul3A_11 = vector.broadcast %mul3A : f32 to vector<2000x64xf32>
    %mul3A_12 = arith.mulf %mul3A_11, %add3A : vector<2000x64xf32>
    %select_n3A = arith.select %ge3A_10, %add3A, %mul3A_12 : vector<2000x64xi1>, vector<2000x64xf32>
    %get3A_13 = arith.constant 0 : index
    %get3A_14 = arith.constant 0 : index
    %get3A_15 = vector.load %arg4[%get3A_13, %get3A_14] : memref<64x64xf32, #tpu.memory_space<vmem>>, vector<64x64xf32>
    %dot_general3A = arith.constant dense<0.000000e+00> : vector<2000x64xf32>
    %dot_general3A_16 = tpu.matmul %select_n3A, %get3A_15, %dot_general3A {dimension_numbers = #tpu.dot_dimension_numbers<[1], [0], [0], [1], [0, 0, 1, 1], [], []>, transpose_lhs_hint = false} : vector<2000x64xf32>, vector<64x64xf32>, vector<2000x64xf32> -> vector<2000x64xf32>
    %get3A_17 = arith.constant 0 : index
    %get3A_18 = arith.constant 0 : index
    %get3A_19 = vector.load %arg5[%get3A_17, %get3A_18] : memref<1x64xf32, #tpu.memory_space<vmem>>, vector<1x64xf32>
    %add3A_20 = vector.broadcast %get3A_19 : vector<1x64xf32> to vector<2000x64xf32>
    %add3A_21 = arith.addf %dot_general3A_16, %add3A_20 : vector<2000x64xf32>
    %get3A_22 = arith.constant 0 : index
    %get3A_23 = arith.constant 0 : index
    %get3A_24 = vector.load %arg3[%get3A_22, %get3A_23] : memref<2000x64xf32, #tpu.memory_space<vmem>>, vector<2000x64xf32>
    %add3A_25 = arith.addf %add3A_21, %get3A_24 : vector<2000x64xf32>
    %ge3A_26 = arith.constant 0.000000e+00 : f32
    %ge3A_27 = vector.broadcast %ge3A_26 : f32 to vector<2000x64xf32>
    %ge3A_28 = arith.cmpf oge, %add3A_25, %ge3A_27 : vector<2000x64xf32>
    %mul3A_29 = arith.constant 0.00999999977 : f32
    %mul3A_30 = vector.broadcast %mul3A_29 : f32 to vector<2000x64xf32>
    %mul3A_31 = arith.mulf %mul3A_30, %add3A_25 : vector<2000x64xf32>
    %select_n3A_32 = arith.select %ge3A_28, %add3A_25, %mul3A_31 : vector<2000x64xi1>, vector<2000x64xf32>
    %swap3A = arith.constant 0 : index
    %swap3A_33 = arith.constant 0 : index
    %swap3A_34 = vector.load %arg6[%swap3A, %swap3A_33] : memref<2000x64xf32, #tpu.memory_space<vmem>>, vector<2000x64xf32>
    tpu.vector_store %arg6[%swap3A, %swap3A_33], %select_n3A_32 {strides = array<i32>} : memref<2000x64xf32, #tpu.memory_space<vmem>>, vector<2000x64xf32>,
    return
  }
  func.func @transform_0(%arg0: i32) -> (i32, i32, i32) {
    %c0_i32 = arith.constant 0 : i32
    %c0_i32_0 = arith.constant 0 : i32
    %c0_i32_1 = arith.constant 0 : i32
    return %c0_i32, %arg0, %c0_i32_0 : i32, i32, i32
  }
  func.func @transform_1(%arg0: i32) -> (i32, i32, i32) {
    %c1_i32 = arith.constant 1 : i32
    %c0_i32 = arith.constant 0 : i32
    %c0_i32_0 = arith.constant 0 : i32
    return %c1_i32, %arg0, %c0_i32 : i32, i32, i32
  }
  func.func @transform_2(%arg0: i32) -> (i32, i32) {
    %c0_i32 = arith.constant 0 : i32
    %c0_i32_0 = arith.constant 0 : i32
    return %arg0, %c0_i32 : i32, i32
  }
  func.func @transform_3(%arg0: i32) -> (i32, i32) {
    %c0_i32 = arith.constant 0 : i32
    %c0_i32_0 = arith.constant 0 : i32
    %c0_i32_1 = arith.constant 0 : i32
    return %c0_i32, %c0_i32_0 : i32, i32
  }
  func.func @transform_4(%arg0: i32) -> (i32, i32) {
    %c0_i32 = arith.constant 0 : i32
    %c0_i32_0 = arith.constant 0 : i32
    %c0_i32_1 = arith.constant 0 : i32
    return %c0_i32, %c0_i32_0 : i32, i32
  }
  func.func @transform_5(%arg0: i32) -> (i32, i32) {
    %c0_i32 = arith.constant 0 : i32
    %c0_i32_0 = arith.constant 0 : i32
    return %arg0, %c0_i32 : i32, i32
  }
}

</mosaic_0001>

<sc_bundles>
// kernel: kernel.12.cloned.1.call-start
scs
__scs_entry_jumppad:
0x0: {  	(pc) =	sbr.rel $0x88, $3  }
0x1: {  	(tag) =	ssettag $0x0;
	lr =	simm.s32 $0x1  }
0x2: {  	[smem:$0x3F94] =	sst lr;
	_ =	strace $0xD0000000  }
0x3: {  	_ = 	snop  }
0x4: {  	_ = 	snop  }
0x5: {  	_ = 	snop  }
0x6: {  	_ = 	snop  }
0x7: {  	_ = 	snop  }
__scs_overlays_trampoline_lowered:
0x8: {  	[smem:$0x3FA3] =	sst s0  }
0x9: {  	[smem:$0x3FA4] =	sst s1  }
0xa: {  	[smem:$0x3FA5] =	sst s2  }
0xb: {  	[smem:$0x3FA6] =	sst s3  }
0xc: {  	[smem:$0x3FA7] =	sst s4  }
0xd: {  	[smem:$0x3FA8] =	sst s5  }
0xe: {  	[smem:$0x3FA9] =	sst s6  }
0xf: {  	[smem:$0x3FAA] =	sst s7  }
0x10: {  	[smem:$0x3FAB] =	sst s8  }
0x11: {  	[smem:$0x3FAC] =	sst s9;
	s0 =	simm.s32 @!p0 $0x0  }
0x12: {  	s1 =	sld [smem:$0x3F92];
	s0 =	simm.s32 @p0 $0x1  }
0x13: {  	[smem:$0x3FAD] =	sst s0;
	s0 =	simm.s32 @!p1 $0x0  }
0x14: {  	s2 =	sld [smem:$0x3F91];
	s0 =	simm.s32 @p1 $0x1  }
0x15: {  	[smem:$0x3FAE] =	sst s0;
	s0 =	simm.s32 @!p2 $0x0  }
0x16: {  	s3 =	sld [smem:$0x3FDB];
	s0 =	simm.s32 @p2 $0x1  }
0x17: {  	s4 =	simm.s32 $0x1BF5;
	[smem:$0x3FB0] =	sst s0  }
0x18: {  	s0 =	sld [smem:$0x3F93];
	_ =	swait.ge [sflag:s4], $0x0  }
0x19: {  	s7 =	sld [smem:$0x3F94]  }
0x1a: {  	s8 =	sadd.s32 $0xFFFFE003, lr  }
0x1b: {  	s9 =	sadd.s32 $0xFFFFFEF7, lr;
	s5 =	simm.s32 $0xFFFFFFFF;
	p2 =	slt.u32 s8, $0xFFFFF086  }
0x1c: {  	p1 =	slt.u32 s9, $0xF7A;
	s5 =	simm.s32 @!p2 $0x0  }
0x1d: {  	s5 =	simm.s32 @p1 $0x1;
	p0 =	seq.s32 s7, s2  }
0x1e: {  	s7 =	smul.u32 @!p0 $0xF7A, s2;
	p2 =	seq.s32 @!p0 s5, $0x0  }
0x1f: {  	s9 =	smul.u32 $0xF7A, s1;
	s8 =	simm.s32 @!p0 $0x1BF5;
	p2 =	por !p2, p0  }
0x20: {  	[sflag:s8] =	ssyncset.s32 @!p0 $0xFFFFF086;
	s6 =	sadd.s32 @!p0 s3, s7;
	s7 =	simm.s32 @!p0 $0x108  }
0x21: {  	s3 =	sadd.s32 s3, s9;
	s6 =	sadd.s32 @!p0 $0x88, s6;
	s7 =	simm.s32 @p2 $0x1082  }
0x22: {  	[simem:s7], [sflag:s8] =	dma.local @!p0 [hbm:s6], $0xF7A  }
0x23: {  	s9 =	sor.u32 $0xD0000000, s2;
	s6 =	simm.s32 $0x108;
	_ =	swait.ge @!p0 [sflag:s8], $0x0  }
0x24: {  	s3 =	sadd.s32 $0x88, s3;
	s6 =	simm.s32 @!p1 $0x1082;
	[sflag:s4] =	ssyncset.s32 $0xFFFFF086  }
0x25: {  	[simem:s6], [sflag:s4] =	dma.local [hbm:s3], $0xF7A  }
0x26: {  	[smem:$0x3F94] =	sst s1;
	(tag) =	ssettag s2;
	_ =	strace s9  }
0x27: {  	s1 =	sld [smem:$0x3FA4]  }
0x28: {  	s2 =	sld [smem:$0x3FA5]  }
0x29: {  	s4 =	sld [smem:$0x3FA7]  }
0x2a: {  	p0 =	seq.s32 s5, $0x0;
	s5 =	sld [smem:$0x3FA8]  }
0x2b: {  	s6 =	sld [smem:$0x3FA9]  }
0x2c: {  	s7 =	sld [smem:$0x3FAA]  }
0x2d: {  	s3 =	simm.s32 $0x108;
	s8 =	sld [smem:$0x3FAB]  }
0x2e: {  	s3 =	simm.s32 @!p0 $0x1082;
	s9 =	sld [smem:$0x3FAC]  }
0x2f: {  	lr =	sadd.s32 s0, s3;
	s0 =	sld [smem:$0x3FA3]  }
0x30: {  	s3 =	sld [smem:$0x3FA6]  }
0x31: {  	[smem:$0x3FAF] =	sst s10  }
0x32: {  	s10 =	sld [smem:$0x3FAD];
	_ =	sdelay $0x3  }
0x33: {  	p0 =	seq.s32 s10, $0x1;
	s10 =	sld [smem:$0x3FAF];
	_ =	sdelay $0x3  }
0x34: {  	[smem:$0x3FAF] =	sst s10  }
0x35: {  	s10 =	sld [smem:$0x3FAE];
	_ =	sdelay $0x3  }
0x36: {  	p1 =	seq.s32 s10, $0x1;
	s10 =	sld [smem:$0x3FAF];
	_ =	sdelay $0x3  }
0x37: {  	[smem:$0x3FAF] =	sst s10  }
0x38: {  	s10 =	sld [smem:$0x3FB0]  }
0x39: {  	_ = 	snop;
	(pc) =	sbr.ind lr, $3  }
0x3a: {  	_ = 	snop  }
0x3b: {  	_ = 	snop  }
0x3c: {  	p2 =	seq.s32 s10, $0x1;
	s10 =	sld [smem:$0x3FAF]  }
0x3d: {  	_ =	shalt  }
0x3e: {  	_ =	shalt  }
0x3f: {  	_ =	shalt  }
0x40: {  	_ =	shalt  }
0x41: {  	_ =	shalt  }
0x42: {  	_ =	shalt  }
0x43: {  	_ =	shalt  }
0x44: {  	_ =	shalt  }
0x45: {  	_ =	shalt  }
0x46: {  	_ =	shalt  }
0x47: {  	_ =	shalt  }
0x48: {  	_ =	shalt  }
0x49: {  	_ =	shalt  }
0x4a: {  	_ =	shalt  }
0x4b: {  	_ =	shalt  }
0x4c: {  	_ =	shalt  }
0x4d: {  	_ =	shalt  }
0x4e: {  	_ =	shalt  }
0x4f: {  	_ =	shalt  }
0x50: {  	_ =	shalt  }
0x51: {  	_ =	shalt  }
0x52: {  	_ =	shalt  }
0x53: {  	_ =	shalt  }
0x54: {  	_ =	shalt  }
0x55: {  	_ =	shalt  }
0x56: {  	_ =	shalt  }
0x57: {  	_ =	shalt  }
0x58: {  	_ =	shalt  }
0x59: {  	_ =	shalt  }
0x5a: {  	_ =	shalt  }
0x5b: {  	_ =	shalt  }
0x5c: {  	_ =	shalt  }
0x5d: {  	_ =	shalt  }
0x5e: {  	_ =	shalt  }
0x5f: {  	_ =	shalt  }
0x60: {  	_ =	shalt  }
0x61: {  	_ =	shalt  }
0x62: {  	_ =	shalt  }
0x63: {  	_ =	shalt  }
0x64: {  	_ =	shalt  }
0x65: {  	_ =	shalt  }
0x66: {  	_ =	shalt  }
0x67: {  	_ =	shalt  }
0x68: {  	_ =	shalt  }
0x69: {  	_ =	shalt  }
0x6a: {  	_ =	shalt  }
0x6b: {  	_ =	shalt  }
0x6c: {  	_ =	shalt  }
0x6d: {  	_ =	shalt  }
0x6e: {  	_ =	shalt  }
0x6f: {  	_ =	shalt  }
0x70: {  	_ =	shalt  }
0x71: {  	_ =	shalt  }
0x72: {  	_ =	shalt  }
0x73: {  	_ =	shalt  }
0x74: {  	_ =	shalt  }
0x75: {  	_ =	shalt  }
0x76: {  	_ =	shalt  }
0x77: {  	_ =	shalt  }
0x78: {  	_ =	shalt  }
0x79: {  	_ =	shalt  }
0x7a: {  	_ =	shalt  }
0x7b: {  	_ =	shalt  }
0x7c: {  	_ =	shalt  }
0x7d: {  	_ =	shalt  }
0x7e: {  	_ =	shalt  }
0x7f: {  	_ =	shalt  }
0x80: {  	_ =	shalt  }
0x81: {  	_ =	shalt  }
0x82: {  	_ =	shalt  }
0x83: {  	_ =	shalt  }
0x84: {  	_ =	shalt  }
0x85: {  	_ =	shalt  }
0x86: {  	_ =	shalt  }
0x87: {  	_ =	shalt  }
.Lfunc_end0:
.L_simem_size_0:
called_computation.1_lowered:
.L_overlay_start_0:
0x88: {  	s2 =	sld [smem:$0x3FD9]  }
0x89: {  	s3 =	sld [smem:$0x3FFE];
	_ =	sdelay $0x1  }
0x8a: {  	s1 =	srdreg.scid  }
0x8b: {  	s0 =	sand.u32 $0x1, s1  }
0x8c: {  	s17 =	sshll.u32 s0, $0xA;
	s2 =	sadd.s32 s3, s2  }
0x8d: {  	s2 =	sadd.s32 s2, s17  }
0x8e: {  	[smem:$0x3FBB] =	sst s2  }
0x8f: {  	_ = 	snop  }
0x90: {  	s2 =	sld [smem:$0x3FD0];
	(tm) =	ssettm $0x1  }
0x91: {  	s18 =	sld [smem:$0x3FFB];
	_ =	sdelay $0x3  }
0x92: {  	_ =	strace s18  }
0x93: {  	s3 =	sld [smem:$0x3FFC];
	_ =	sdelay $0x3  }
0x94: {  	_ =	strace s3  }
0x95: {  	s3 =	sld [smem:$0x3FFD];
	_ =	sdelay $0x3  }
0x96: {  	_ =	strace s3  }
0x97: {  	_ =	strace $0x8FFFFFFF  }
0x98: {  	s19 =	sld [smem:$0x3FDB];
	_ =	sdelay $0x1  }
0x99: {  	s4 =	simm.s32 $_scs_section_size  }
0x9a: {  	s5 =	simm.s32 $_size__tile_overlayer_lowered;
	s6 =	simm.s32 $_tile_overlayer_lowered  }
0x9b: {  	s22 =	simm.s32 $0x1BFF;
	s21 =	sshll.u32 s6, $0x1;
	s3 =	sadd.s32 s4, s19  }
0x9c: {  	s7 =	simm.s32 $0x0;
	s20 =	sshll.u32 s5, $0x1;
	s5 =	sadd.s32 s21, s3  }
0x9d: {  	[timem:s7], [sflag:s22] =	dma.local [hbm:s5], s20  }
0x9e: {  	_ =	swait.ge [sflag:s22], s20  }
0x9f: {  	s4 =	ssub.s32 $0x0, s20;
	[sflag:s22] =	ssyncset.done $0x0  }
0xa0: {  	[sflag:s22] =	ssyncadd.s32 s4;
	_ =	sdelay $0x1  }
0xa1: {  	s23 =	simm.s32 $0x1B8B  }
0xa2: {  	_ =	swait.ge [sflag:s23], $0x1  }
0xa3: {  	[sflag:s23] =	ssyncset.done $0x0  }
0xa4: {  	s25 =	simm.s32 $0x1B8E;
	s24 =	sld [smem:$0x3FFE];
	[sflag:s23] =	ssyncadd.s32 $0xFFFFFFFF  }
0xa5: {  	s26 =	simm.s32 $execute0_lowered;
	[smem:$0x3FD2] =	sst s25  }
0xa6: {  	s5 =	sshll.u32 s26, $0x1;
	_ =	strace $0x80000049;
	[dreg:$0x1] =	wrdreg $0xFFFFFFFF  }
0xa7: {  	s28 =	simm.s32 $_size_execute0_lowered;
	s3 =	sadd.s32 s3, s5;
	[dreg:$0x0] =	wrdreg $0x0  }
0xa8: {  	s5 =	sshll.u32 s28, $0x1;
	[dreg:$0x2] =	wrdreg s3  }
0xa9: {  	[dreg:$0x3] =	wrdreg s5  }
0xaa: {  	[dreg:$0x4] =	wrdreg $0xC0  }
0xab: {  	_ =	task [dreg:s7], $0x5FFFF  }
0xac: {  	[dreg:$0x1] =	wrdreg $0xFFFFFFFF  }
0xad: {  	[dreg:$0x0] =	wrdreg $0x60  }
0xae: {  	[dreg:$0x2] =	wrdreg s2  }
0xaf: {  	[dreg:$0x3] =	wrdreg s24  }
0xb0: {  	[dreg:$0x4] =	wrdreg $0xD0000  }
0xb1: {  	[dreg:$0x5] =	wrdreg $0x9  }
0xb2: {  	_ =	task.clear_ibuf [dreg:s7], $0x6FFFF;
	_ =	strace $0x90000049  }
0xb3: {  	s29 =	simm.s32 $0x9;
	_ =	strace $0x8000004B  }
0xb4: {  	_ =	swait.ge [sflag:s29], $0x1  }
0xb5: {  	[sflag:s29] =	ssyncadd.s32 $0xFFFFFFFF  }
0xb6: {  	_ =	strace $0x9000004B  }
0xb7: {  	_ =	sfence  }
0xb8: {  	s30 =	sld [smem:$0x0];
	_ =	sdelay $0x2  }
0xb9: {  	s31 =	sshll.u32 s1, $0xD;
	s1 =	sshrl.u32 s1, $0x2  }
0xba: {  	s3 =	sand.u32 $0x4000, s31;
	s1 =	sadd.s32 s1, s30  }
0xbb: {  	s0 =	sor.u32 s3, s0;
	s1 =	sshll.u32 s1, $0x11  }
0xbc: {  	s0 =	sor.u32 s1, s0  }
0xbd: {  	s0 =	sadd.s32 $0x8F2B, s0  }
0xbe: {  	[sflag:s0] =	ssyncadd.remote.s32 $0x1  }
0xbf: {  	_ =	sfence.sel $0xFFFF  }
0xc0: {  	[dreg:$0x0] =	wrdreg $0xFFFFFFFF;
	(pc) =	sbr.abs _section_cstart, $3  }
0xc1: {  	[dreg:$0x1] =	wrdreg $0xFFFFFFFF  }
0xc2: {  	_ =	task.clear_ibuf [dreg:s7], $0x2FFFF;
	_ =	strace $0x9FFFFFFF  }
0xc3: {  	(tm) =	ssettm $0x7FFFFFFF  }
tec
execute0_lowered:
.L_overlay_start_1:
0x0: {  	(tag) =	ssettag $0x1  }
0x1: {  	s0 =	srdreg.scid;
	s2 =	rddreg [dreg:$0x0]  }
0x2: {  	s8 =	stileid.u32;
	s5 =	rddreg [dreg:$0x1]  }
0x3: {  	s3 =	rddreg [dreg:$0x2];
	s4 =	simm.s32 $0x0;
	s14 =	simm.s32 $0x5000  }
0x4: {  	s15 =	simm.s32 $0x9;
	s16 =	simm.s32 $0x2800;
	s17 =	simm.s32 $0x80  }
0x5: {  	s18 =	simm.s32 $0x7000;
	s19 =	simm.s32 $0x1;
	s21 =	simm.s32 $0x9000  }
0x6: {  	s22 =	simm.s32 $0x2;
	s25 =	simm.s32 $0xB000;
	s28 =	simm.s32 $0x5  }
0x7: {  	s29 =	simm.s32 $0x4;
	s30 =	simm.s32 $0x6;
	s31 =	simm.s32 $0x7  }
0x8: {  	s20 =	simm.s32 $0x4F80;
	s0 =	sand.u32 $0x1, s0;
	s6 =	smul.u32 $0x9E00, s8  }
0x9: {  	[smem:$0x7FF] =	sst s4;
	s1 =	sshll.u32 s0, $0x4;
	s7 =	smul.u32 $0x9E000, s0  }
0xa: {  	s0 =	ssub.s32 $0x2, s0;
	s1 =	sor.u32 s8, s1;
	s8 =	smul.u32 $0x27800, s8  }
0xb: {  	_ =	strace $0x8000004A;
	s26 =	sshrl.u32 s0, $0x1;
	s1 =	smul.u32 $0x500, s1  }
0xc: {  	s7 =	sadd.s32 s6, s7;
	s0 =	ssub.s32 s0, s26;
	s26 =	simm.s32 $0x3  }
0xd: {  	s7 =	sshrl.u32 s7, $0x3;
	s8 =	sshrl.u32 s8, $0x2;
	s13 =	smax.u32 s0, $0x1  }
0xe: {  	s1 =	sadd.s32 s1, s5;
	s12 =	sadd.s32 s7, s5;
	s9 =	sadd.s32 s8, s3  }
0xf: {  	s5 =	sadd.s32 s6, s3;
	s6 =	sadd.s32 $0x2000, s9;
	s7 =	sadd.s32 $0x4000, s9  }
0x10: {  	s8 =	sadd.s32 $0x6000, s9;
	s9 =	sadd.s32 $0x8000, s9;
	s10 =	sadd.s32 $0x3400, s1  }
0x11: {  	v0 =	vimm.f32 $0.0e+00;
	s11 =	sadd.s32 $0xD400, s1;
	s12 =	sadd.s32 $0x17400, s12;
	s1 =	simm.s32 $0x8  }
.LBB2_1:
0x12: {  	s24 =	simm.s32 $0x100;
	s23 =	simm.s32 $0x0  }
.LBB2_2:
0x13: {  	p0 =	sne.s32 s24, $0x7F00;
	[tilespmem:s23+$0x5030] =	vst v0;
	s0 =	smov.u32 s24;
	s24 =	sadd.s32 $0x100, s24  }
.Ltmp0:
0x14: {  	[tilespmem:s23+$0x5020] =	vst v0;
	(pc) =	sbr.rel @p0 .LBB2_2-.Ltmp0, $3  }
0x15: {  	[tilespmem:s23+$0x5000] =	vst v0  }
0x16: {  	[tilespmem:s23+$0x5010] =	vst v0;
	_ =	sdelay $0x1  }
0x17: {  	s23 =	sshra.s32 s0, $0x2  }
0x18: {  	[tilespmem:s23+$0x5030] =	vst v0  }
0x19: {  	[tilespmem:s23+$0x5020] =	vst v0  }
0x1a: {  	[tilespmem:s23+$0x5000] =	vst v0  }
0x1b: {  	[tilespmem:s23+$0x5010] =	vst v0  }
0x1c: {  	[spmem:s5] =	stream.linear.scatter [tilespmem:s14], [sflag:$0x9], $0x2000, $0x38;
	[tilespmem:$0x16E00] =	vst v63  }
0x1d: {  	_ =	swait.ge [sflag:s15], $0x2000  }
0x1e: {  	[sflag:s15] =	ssyncset.done $0x0  }
0x1f: {  	[sflag:s15] =	ssyncadd.s32 $0xFFFFE000  }
0x20: {  	[spmem:s6] =	stream.linear.scatter [tilespmem:s14], [sflag:$0x9], $0x2000, $0x38;
	[tilespmem:$0x16E00] =	vst v63  }
0x21: {  	_ =	swait.ge [sflag:s15], $0x2000  }
0x22: {  	[sflag:s15] =	ssyncset.done $0x0  }
0x23: {  	[sflag:s15] =	ssyncadd.s32 $0xFFFFE000  }
0x24: {  	[spmem:s7] =	stream.linear.scatter [tilespmem:s14], [sflag:$0x9], $0x2000, $0x38;
	[tilespmem:$0x16E00] =	vst v63  }
0x25: {  	_ =	swait.ge [sflag:s15], $0x2000  }
0x26: {  	[sflag:s15] =	ssyncset.done $0x0  }
0x27: {  	[sflag:s15] =	ssyncadd.s32 $0xFFFFE000  }
0x28: {  	[spmem:s8] =	stream.linear.scatter [tilespmem:s14], [sflag:$0x9], $0x2000, $0x38;
	[tilespmem:$0x16E00] =	vst v63  }
0x29: {  	_ =	swait.ge [sflag:s15], $0x2000  }
0x2a: {  	[sflag:s15] =	ssyncset.done $0x0  }
0x2b: {  	[sflag:s15] =	ssyncadd.s32 $0xFFFFE000  }
0x2c: {  	[spmem:s9] =	stream.linear.scatter [tilespmem:s14], [sflag:$0x9], $0x1E00, $0x38;
	[tilespmem:$0x16E00] =	vst v63  }
0x2d: {  	_ =	swait.ge [sflag:s15], $0x1E00  }
0x2e: {  	[sflag:s15] =	ssyncset.done $0x0  }
0x2f: {  	[sflag:s15] =	ssyncadd.s32 $0xFFFFE200  }
0x30: {  	s0 =	simm.s32 $0x0;
	[bflag:$0x0] =	sbarrier.arrive $0xFFFF  }
0x31: {  	[tilespmem:s0], [sflag:$0x9] =	stream.linear.gather [hbm4b:s10+s0], $0x2800, $0x38;
	[tilespmem:$0x16E00] =	vst v63  }
0x32: {  	_ =	swait.ge [sflag:s15], $0x2800  }
0x33: {  	[sflag:s15] =	ssyncset.done $0x0  }
0x34: {  	[sflag:s15] =	ssyncadd.s32 $0xFFFFD800  }
0x35: {  	[tilespmem:s16], [sflag:$0x9] =	stream.linear.gather [hbm4b:s11+s0], $0x2800, $0x38;
	[tilespmem:$0x16E00] =	vst v63  }
0x36: {  	_ =	swait.ge [sflag:s15], $0x2800  }
0x37: {  	[sflag:s15] =	ssyncset.done $0x0  }
0x38: {  	[sflag:s15] =	ssyncadd.s32 $0xFFFFD800  }
0x39: {  	[tilespmem:s14], [sflag:$0x1] =	stream.indirect.gather [hbm4b:s2+s17], $0x40, s0, s17, $0xb8;
	[tilespmem:$0x16E00] =	vst v63  }
0x3a: {  	_ = 	snop  }
0x3b: {  	[tilespmem:s18], [sflag:$0x2] =	stream.indirect.gather [hbm4b:s2+s17], $0x40, s17, s17, $0xb8;
	[tilespmem:$0x16E00] =	vst v63  }
0x3c: {  	_ =	swait.ge [sflag:s19], $0x2000  }
0x3d: {  	[sflag:s19] =	ssyncset.done $0x0  }
0x3e: {  	[sflag:s19] =	ssyncadd.s32 $0xFFFFE000  }
0x3f: {  	[spmem:s3] =	stream.indirect.scatter.add.f32 [tilespmem:s14], [sflag:$0x5], $0x40, s16, s17, $0xb8;
	[tilespmem:$0x16E00] =	vst v63  }
0x40: {  	s23 =	simm.s32 $0x100  }
0x41: {  	[tilespmem:s21], [sflag:$0x3] =	stream.indirect.gather [hbm4b:s2+s17], $0x40, s23, s17, $0xb8;
	[tilespmem:$0x16E00] =	vst v63  }
0x42: {  	_ =	swait.ge [sflag:s22], $0x2000  }
0x43: {  	[sflag:s22] =	ssyncset.done $0x0  }
0x44: {  	s24 =	simm.s32 $0x2880;
	[sflag:s22] =	ssyncadd.s32 $0xFFFFE000  }
0x45: {  	[spmem:s3] =	stream.indirect.scatter.add.f32 [tilespmem:s18], [sflag:$0x6], $0x40, s24, s17, $0xb8;
	[tilespmem:$0x16E00] =	vst v63  }
0x46: {  	s23 =	simm.s32 $0x180  }
0x47: {  	[tilespmem:s25], [sflag:$0x4] =	stream.indirect.gather [hbm4b:s2+s17], $0x40, s23, s17, $0xb8;
	[tilespmem:$0x16E00] =	vst v63  }
0x48: {  	_ =	swait.ge [sflag:s26], $0x2000  }
0x49: {  	[sflag:s26] =	ssyncset.done $0x0  }
0x4a: {  	s24 =	simm.s32 $0x2900;
	[sflag:s26] =	ssyncadd.s32 $0xFFFFE000  }
0x4b: {  	[spmem:s3] =	stream.indirect.scatter.add.f32 [tilespmem:s21], [sflag:$0x7], $0x40, s24, s17, $0xb8;
	[tilespmem:$0x16E00] =	vst v63  }
0x4c: {  	_ =	swait.ge [sflag:s28], $0x2000  }
0x4d: {  	[sflag:s28] =	ssyncset.done $0x0  }
0x4e: {  	s23 =	simm.s32 $0x200;
	[sflag:s28] =	ssyncadd.s32 $0xFFFFE000  }
0x4f: {  	[tilespmem:s14], [sflag:$0x1] =	stream.indirect.gather [hbm4b:s2+s17], $0x40, s23, s17, $0xb8;
	[tilespmem:$0x16E00] =	vst v63  }
0x50: {  	_ =	swait.ge [sflag:s29], $0x2000  }
0x51: {  	[sflag:s29] =	ssyncset.done $0x0  }
0x52: {  	s24 =	simm.s32 $0x2980;
	[sflag:s29] =	ssyncadd.s32 $0xFFFFE000  }
0x53: {  	[spmem:s3] =	stream.indirect.scatter.add.f32 [tilespmem:s25], [sflag:$0x8], $0x40, s24, s17, $0xb8;
	[tilespmem:$0x16E00] =	vst v63  }
0x54: {  	_ =	swait.ge [sflag:s30], $0x2000  }
0x55: {  	[sflag:s30] =	ssyncset.done $0x0  }
0x56: {  	s23 =	simm.s32 $0x280;
	[sflag:s30] =	ssyncadd.s32 $0xFFFFE000  }
0x57: {  	[tilespmem:s18], [sflag:$0x2] =	stream.indirect.gather [hbm4b:s2+s17], $0x40, s23, s17, $0xb8;
	[tilespmem:$0x16E00] =	vst v63  }
0x58: {  	_ =	swait.ge [sflag:s19], $0x2000  }
0x59: {  	[sflag:s19] =	ssyncset.done $0x0  }
0x5a: {  	s24 =	simm.s32 $0x2A00;
	[sflag:s19] =	ssyncadd.s32 $0xFFFFE000  }
0x5b: {  	[spmem:s3] =	stream.indirect.scatter.add.f32 [tilespmem:s14], [sflag:$0x5], $0x40, s24, s17, $0xb8;
	[tilespmem:$0x16E00] =	vst v63  }
0x5c: {  	_ =	swait.ge [sflag:s31], $0x2000  }
0x5d: {  	[sflag:s31] =	ssyncset.done $0x0  }
0x5e: {  	s23 =	simm.s32 $0x300;
	[sflag:s31] =	ssyncadd.s32 $0xFFFFE000  }
0x5f: {  	[tilespmem:s21], [sflag:$0x3] =	stream.indirect.gather [hbm4b:s2+s17], $0x40, s23, s17, $0xb8;
	[tilespmem:$0x16E00] =	vst v63  }
0x60: {  	_ =	swait.ge [sflag:s22], $0x2000  }
0x61: {  	[sflag:s22] =	ssyncset.done $0x0  }
0x62: {  	s24 =	simm.s32 $0x2A80;
	[sflag:s22] =	ssyncadd.s32 $0xFFFFE000  }
0x63: {  	[spmem:s3] =	stream.indirect.scatter.add.f32 [tilespmem:s18], [sflag:$0x6], $0x40, s24, s17, $0xb8;
	[tilespmem:$0x16E00] =	vst v63  }
0x64: {  	_ =	swait.ge [sflag:s1], $0x2000  }
0x65: {  	[sflag:s1] =	ssyncset.done $0x0  }
0x66: {  	s23 =	simm.s32 $0x800;
	s24 =	simm.s32 $0x380;
	[sflag:s1] =	ssyncadd.s32 $0xFFFFE000  }
.LBB2_4:
0x67: {  	[tilespmem:s25], [sflag:$0x4] =	stream.indirect.gather [hbm4b:s2+s17], $0x40, s24, s17, $0xb8;
	[tilespmem:$0x16E00] =	vst v63  }
0x68: {  	s0 =	smov.u32 s23  }
0x69: {  	p0 =	sne.s32 s23, $0x9000;
	s23 =	sadd.s32 $0x800, s23;
	_ =	swait.ge [sflag:s26], $0x2000  }
0x6a: {  	s24 =	sshra.s32 s0, $0x2;
	[sflag:s26] =	ssyncset.done $0x0  }
0x6b: {  	s0 =	sadd.s32 $0x2900, s24;
	[sflag:s26] =	ssyncadd.s32 $0xFFFFE000  }
0x6c: {  	[spmem:s3] =	stream.indirect.scatter.add.f32 [tilespmem:s21], [sflag:$0x7], $0x40, s0, s17, $0xb8;
	[tilespmem:$0x16E00] =	vst v63  }
0x6d: {  	_ =	swait.ge [sflag:s28], $0x2000  }
0x6e: {  	[sflag:s28] =	ssyncset.done $0x0  }
0x6f: {  	s0 =	sadd.s32 $0x200, s24;
	[sflag:s28] =	ssyncadd.s32 $0xFFFFE000  }
0x70: {  	[tilespmem:s14], [sflag:$0x1] =	stream.indirect.gather [hbm4b:s2+s17], $0x40, s0, s17, $0xb8;
	[tilespmem:$0x16E00] =	vst v63  }
0x71: {  	_ =	swait.ge [sflag:s29], $0x2000  }
0x72: {  	[sflag:s29] =	ssyncset.done $0x0  }
0x73: {  	s0 =	sadd.s32 $0x2980, s24;
	[sflag:s29] =	ssyncadd.s32 $0xFFFFE000  }
0x74: {  	[spmem:s3] =	stream.indirect.scatter.add.f32 [tilespmem:s25], [sflag:$0x8], $0x40, s0, s17, $0xb8;
	[tilespmem:$0x16E00] =	vst v63  }
0x75: {  	_ =	swait.ge [sflag:s30], $0x2000  }
0x76: {  	[sflag:s30] =	ssyncset.done $0x0  }
0x77: {  	s0 =	sadd.s32 $0x280, s24;
	[sflag:s30] =	ssyncadd.s32 $0xFFFFE000  }
0x78: {  	[tilespmem:s18], [sflag:$0x2] =	stream.indirect.gather [hbm4b:s2+s17], $0x40, s0, s17, $0xb8;
	[tilespmem:$0x16E00] =	vst v63  }
0x79: {  	_ =	swait.ge [sflag:s19], $0x2000  }
0x7a: {  	[sflag:s19] =	ssyncset.done $0x0  }
0x7b: {  	s0 =	sadd.s32 $0x2A00, s24;
	[sflag:s19] =	ssyncadd.s32 $0xFFFFE000  }
0x7c: {  	[spmem:s3] =	stream.indirect.scatter.add.f32 [tilespmem:s14], [sflag:$0x5], $0x40, s0, s17, $0xb8;
	[tilespmem:$0x16E00] =	vst v63  }
0x7d: {  	_ =	swait.ge [sflag:s31], $0x2000  }
0x7e: {  	[sflag:s31] =	ssyncset.done $0x0  }
0x7f: {  	s0 =	sadd.s32 $0x300, s24;
	[sflag:s31] =	ssyncadd.s32 $0xFFFFE000  }
0x80: {  	[tilespmem:s21], [sflag:$0x3] =	stream.indirect.gather [hbm4b:s2+s17], $0x40, s0, s17, $0xb8;
	[tilespmem:$0x16E00] =	vst v63  }
0x81: {  	_ =	swait.ge [sflag:s22], $0x2000  }
0x82: {  	[sflag:s22] =	ssyncset.done $0x0  }
.Ltmp1:
0x83: {  	s0 =	sadd.s32 $0x2A80, s24;
	[sflag:s22] =	ssyncadd.s32 $0xFFFFE000;
	(pc) =	sbr.rel @p0 .LBB2_4-.Ltmp1, $4  }
0x84: {  	[spmem:s3] =	stream.indirect.scatter.add.f32 [tilespmem:s18], [sflag:$0x6], $0x40, s0, s17, $0xb8;
	[tilespmem:$0x16E00] =	vst v63  }
0x85: {  	_ =	swait.ge [sflag:s1], $0x2000  }
0x86: {  	[sflag:s1] =	ssyncset.done $0x0  }
0x87: {  	s24 =	sadd.s32 $0x380, s24;
	[sflag:s1] =	ssyncadd.s32 $0xFFFFE000  }
0x88: {  	[tilespmem:s25], [sflag:$0x4] =	stream.indirect.gather [hbm4b:s2+s17], $0x40, s24, s17, $0xb8;
	[tilespmem:$0x16E00] =	vst v63  }
0x89: {  	_ =	swait.ge [sflag:s26], $0x2000  }
0x8a: {  	[sflag:s26] =	ssyncset.done $0x0  }
0x8b: {  	s0 =	simm.s32 $0x4F00;
	[sflag:s26] =	ssyncadd.s32 $0xFFFFE000  }
0x8c: {  	[spmem:s3] =	stream.indirect.scatter.add.f32 [tilespmem:s21], [sflag:$0x7], $0x40, s0, s17, $0xb8;
	[tilespmem:$0x16E00] =	vst v63  }
0x8d: {  	_ =	swait.ge [sflag:s29], $0x2000  }
0x8e: {  	[sflag:s29] =	ssyncset.done $0x0  }
0x8f: {  	[sflag:s29] =	ssyncadd.s32 $0xFFFFE000  }
0x90: {  	[spmem:s3] =	stream.indirect.scatter.add.f32 [tilespmem:s25], [sflag:$0x8], $0x40, s20, s17, $0xb8;
	[tilespmem:$0x16E00] =	vst v63  }
0x91: {  	_ =	swait.ge [sflag:s28], $0x2000  }
0x92: {  	[sflag:s28] =	ssyncset.done $0x0  }
0x93: {  	[sflag:s28] =	ssyncadd.s32 $0xFFFFE000  }
0x94: {  	_ =	swait.ge [sflag:s30], $0x2000  }
0x95: {  	[sflag:s30] =	ssyncset.done $0x0  }
0x96: {  	[sflag:s30] =	ssyncadd.s32 $0xFFFFE000  }
0x97: {  	_ =	swait.ge [sflag:s31], $0x2000  }
0x98: {  	[sflag:s31] =	ssyncset.done $0x0  }
0x99: {  	[sflag:s31] =	ssyncadd.s32 $0xFFFFE000  }
0x9a: {  	s24 =	stileid.u32;
	_ =	swait.ge [sflag:s1], $0x2000  }
0x9b: {  	s23 =	sshrl.u32 s5, $0x3;
	s4 =	sadd.s32 $0x1, s4;
	[sflag:s1] =	ssyncset.done $0x0  }
0x9c: {  	p0 =	sne.s32 s4, s13;
	s0 =	sshll.u32 s24, $0x6;
	[sflag:s1] =	ssyncadd.s32 $0xFFFFE000  }
.Ltmp2:
0x9d: {  	s0 =	sor.u32 $0x1C09, s0;
	[bflag:$0x0] =	sbarrier.arrive $0xFFFF;
	(pc) =	sbr.rel @p0 .LBB2_1-.Ltmp2, $4  }
0x9e: {  	[hbm:s12], [sflag:s0] =	dma.local [spmem:s23], $0x13C0  }
0x9f: {  	_ =	swait.ge [sflag:s15], $0x13C0  }
0xa0: {  	[sflag:s15] =	ssyncset.done $0x0  }
0xa1: {  	[sflag:s15] =	ssyncadd.s32 $0xFFFFEC40  }
0xa2: {  	_ =	sfence.sel $0x180000  }
0xa3: {  	[bflag:$0x0] =	sbarrier.arrive $0xFFFF  }
0xa4: {  	_ =	strace $0x9000004A  }
0xa5: {  	s0 =	stileid.u32;
	[bflag:$0x2] =	sbarrier.arrive $0xFFFF  }
0xa6: {  	p0 =	sne.s32 s0, $0x0;
	s0 =	rddreg [dreg:$0x3]  }
0xa7: {  	s0 =	sadd.s32 @!p0 $0x100000, s0  }
0xa8: {  	[sflag:s0] =	ssyncadd.tile.s32 @!p0 $0x1;
	_ =	shalt  }
.Lfunc_end2:
_tile_overlayer_lowered:
.L_overlay_start_2:
0xa9: {  	(tag) =	ssettag $0x2  }
0xaa: {  	s0 =	rddreg [dreg:$0x0];
	s2 =	stileid.u32  }
0xab: {  	s1 =	rddreg [dreg:$0x1];
	p0 =	sne.s32 s2, $0x0  }
0xac: {  	s3 =	rddreg [dreg:$0x2];
	[bflag:$0x3] =	sbarrier.arrive $0xFFFF;
	s2 =	simm.s32 @!p0 $0x1C09  }
0xad: {  	[timem:s3], [sflag:s2] =	dma.local @!p0 [hbm:s0], s1  }
0xae: {  	s0 =	simm.s32 @!p0 $0x9  }
0xaf: {  	_ =	swait.ge @!p0 [sflag:s0], s1  }
0xb0: {  	s1 =	ssub.s32 @!p0 $0x0, s1;
	[sflag:s0] =	ssyncset.done @!p0 $0x0  }
0xb1: {  	[sflag:s0] =	ssyncadd.s32 @!p0 s1  }
0xb2: {  	[bflag:$0x3] =	sbarrier.arrive $0xFFFF  }
0xb3: {  	_ =	shalt  }

// kernel: kernel.9.cloned.1.call-start
scs
__scs_entry_jumppad:
0x0: {  	(pc) =	sbr.rel $0x88, $3  }
0x1: {  	(tag) =	ssettag $0x0;
	lr =	simm.s32 $0x1  }
0x2: {  	[smem:$0x3F94] =	sst lr;
	_ =	strace $0xD0000000  }
0x3: {  	_ = 	snop  }
0x4: {  	_ = 	snop  }
0x5: {  	_ = 	snop  }
0x6: {  	_ = 	snop  }
0x7: {  	_ = 	snop  }
__scs_overlays_trampoline_lowered:
0x8: {  	[smem:$0x3FA3] =	sst s0  }
0x9: {  	[smem:$0x3FA4] =	sst s1  }
0xa: {  	[smem:$0x3FA5] =	sst s2  }
0xb: {  	[smem:$0x3FA6] =	sst s3  }
0xc: {  	[smem:$0x3FA7] =	sst s4  }
0xd: {  	[smem:$0x3FA8] =	sst s5  }
0xe: {  	[smem:$0x3FA9] =	sst s6  }
0xf: {  	[smem:$0x3FAA] =	sst s7  }
0x10: {  	[smem:$0x3FAB] =	sst s8  }
0x11: {  	[smem:$0x3FAC] =	sst s9;
	s0 =	simm.s32 @!p0 $0x0  }
0x12: {  	s1 =	sld [smem:$0x3F92];
	s0 =	simm.s32 @p0 $0x1  }
0x13: {  	[smem:$0x3FAD] =	sst s0;
	s0 =	simm.s32 @!p1 $0x0  }
0x14: {  	s2 =	sld [smem:$0x3F91];
	s0 =	simm.s32 @p1 $0x1  }
0x15: {  	[smem:$0x3FAE] =	sst s0;
	s0 =	simm.s32 @!p2 $0x0  }
0x16: {  	s3 =	sld [smem:$0x3FDB];
	s0 =	simm.s32 @p2 $0x1  }
0x17: {  	s4 =	simm.s32 $0x1BF5;
	[smem:$0x3FB0] =	sst s0  }
0x18: {  	s0 =	sld [smem:$0x3F93];
	_ =	swait.ge [sflag:s4], $0x0  }
0x19: {  	s7 =	sld [smem:$0x3F94]  }
0x1a: {  	s8 =	sadd.s32 $0xFFFFE003, lr  }
0x1b: {  	s9 =	sadd.s32 $0xFFFFFEF7, lr;
	s5 =	simm.s32 $0xFFFFFFFF;
	p2 =	slt.u32 s8, $0xFFFFF086  }
0x1c: {  	p1 =	slt.u32 s9, $0xF7A;
	s5 =	simm.s32 @!p2 $0x0  }
0x1d: {  	s5 =	simm.s32 @p1 $0x1;
	p0 =	seq.s32 s7, s2  }
0x1e: {  	s7 =	smul.u32 @!p0 $0xF7A, s2;
	p2 =	seq.s32 @!p0 s5, $0x0  }
0x1f: {  	s9 =	smul.u32 $0xF7A, s1;
	s8 =	simm.s32 @!p0 $0x1BF5;
	p2 =	por !p2, p0  }
0x20: {  	[sflag:s8] =	ssyncset.s32 @!p0 $0xFFFFF086;
	s6 =	sadd.s32 @!p0 s3, s7;
	s7 =	simm.s32 @!p0 $0x108  }
0x21: {  	s3 =	sadd.s32 s3, s9;
	s6 =	sadd.s32 @!p0 $0x88, s6;
	s7 =	simm.s32 @p2 $0x1082  }
0x22: {  	[simem:s7], [sflag:s8] =	dma.local @!p0 [hbm:s6], $0xF7A  }
0x23: {  	s9 =	sor.u32 $0xD0000000, s2;
	s6 =	simm.s32 $0x108;
	_ =	swait.ge @!p0 [sflag:s8], $0x0  }
0x24: {  	s3 =	sadd.s32 $0x88, s3;
	s6 =	simm.s32 @!p1 $0x1082;
	[sflag:s4] =	ssyncset.s32 $0xFFFFF086  }
0x25: {  	[simem:s6], [sflag:s4] =	dma.local [hbm:s3], $0xF7A  }
0x26: {  	[smem:$0x3F94] =	sst s1;
	(tag) =	ssettag s2;
	_ =	strace s9  }
0x27: {  	s1 =	sld [smem:$0x3FA4]  }
0x28: {  	s2 =	sld [smem:$0x3FA5]  }
0x29: {  	s4 =	sld [smem:$0x3FA7]  }
0x2a: {  	p0 =	seq.s32 s5, $0x0;
	s5 =	sld [smem:$0x3FA8]  }
0x2b: {  	s6 =	sld [smem:$0x3FA9]  }
0x2c: {  	s7 =	sld [smem:$0x3FAA]  }
0x2d: {  	s3 =	simm.s32 $0x108;
	s8 =	sld [smem:$0x3FAB]  }
0x2e: {  	s3 =	simm.s32 @!p0 $0x1082;
	s9 =	sld [smem:$0x3FAC]  }
0x2f: {  	lr =	sadd.s32 s0, s3;
	s0 =	sld [smem:$0x3FA3]  }
0x30: {  	s3 =	sld [smem:$0x3FA6]  }
0x31: {  	[smem:$0x3FAF] =	sst s10  }
0x32: {  	s10 =	sld [smem:$0x3FAD];
	_ =	sdelay $0x3  }
0x33: {  	p0 =	seq.s32 s10, $0x1;
	s10 =	sld [smem:$0x3FAF];
	_ =	sdelay $0x3  }
0x34: {  	[smem:$0x3FAF] =	sst s10  }
0x35: {  	s10 =	sld [smem:$0x3FAE];
	_ =	sdelay $0x3  }
0x36: {  	p1 =	seq.s32 s10, $0x1;
	s10 =	sld [smem:$0x3FAF];
	_ =	sdelay $0x3  }
0x37: {  	[smem:$0x3FAF] =	sst s10  }
0x38: {  	s10 =	sld [smem:$0x3FB0]  }
0x39: {  	_ = 	snop;
	(pc) =	sbr.ind lr, $3  }
0x3a: {  	_ = 	snop  }
0x3b: {  	_ = 	snop  }
0x3c: {  	p2 =	seq.s32 s10, $0x1;
	s10 =	sld [smem:$0x3FAF]  }
0x3d: {  	_ =	shalt  }
0x3e: {  	_ =	shalt  }
0x3f: {  	_ =	shalt  }
0x40: {  	_ =	shalt  }
0x41: {  	_ =	shalt  }
0x42: {  	_ =	shalt  }
0x43: {  	_ =	shalt  }
0x44: {  	_ =	shalt  }
0x45: {  	_ =	shalt  }
0x46: {  	_ =	shalt  }
0x47: {  	_ =	shalt  }
0x48: {  	_ =	shalt  }
0x49: {  	_ =	shalt  }
0x4a: {  	_ =	shalt  }
0x4b: {  	_ =	shalt  }
0x4c: {  	_ =	shalt  }
0x4d: {  	_ =	shalt  }
0x4e: {  	_ =	shalt  }
0x4f: {  	_ =	shalt  }
0x50: {  	_ =	shalt  }
0x51: {  	_ =	shalt  }
0x52: {  	_ =	shalt  }
0x53: {  	_ =	shalt  }
0x54: {  	_ =	shalt  }
0x55: {  	_ =	shalt  }
0x56: {  	_ =	shalt  }
0x57: {  	_ =	shalt  }
0x58: {  	_ =	shalt  }
0x59: {  	_ =	shalt  }
0x5a: {  	_ =	shalt  }
0x5b: {  	_ =	shalt  }
0x5c: {  	_ =	shalt  }
0x5d: {  	_ =	shalt  }
0x5e: {  	_ =	shalt  }
0x5f: {  	_ =	shalt  }
0x60: {  	_ =	shalt  }
0x61: {  	_ =	shalt  }
0x62: {  	_ =	shalt  }
0x63: {  	_ =	shalt  }
0x64: {  	_ =	shalt  }
0x65: {  	_ =	shalt  }
0x66: {  	_ =	shalt  }
0x67: {  	_ =	shalt  }
0x68: {  	_ =	shalt  }
0x69: {  	_ =	shalt  }
0x6a: {  	_ =	shalt  }
0x6b: {  	_ =	shalt  }
0x6c: {  	_ =	shalt  }
0x6d: {  	_ =	shalt  }
0x6e: {  	_ =	shalt  }
0x6f: {  	_ =	shalt  }
0x70: {  	_ =	shalt  }
0x71: {  	_ =	shalt  }
0x72: {  	_ =	shalt  }
0x73: {  	_ =	shalt  }
0x74: {  	_ =	shalt  }
0x75: {  	_ =	shalt  }
0x76: {  	_ =	shalt  }
0x77: {  	_ =	shalt  }
0x78: {  	_ =	shalt  }
0x79: {  	_ =	shalt  }
0x7a: {  	_ =	shalt  }
0x7b: {  	_ =	shalt  }
0x7c: {  	_ =	shalt  }
0x7d: {  	_ =	shalt  }
0x7e: {  	_ =	shalt  }
0x7f: {  	_ =	shalt  }
0x80: {  	_ =	shalt  }
0x81: {  	_ =	shalt  }
0x82: {  	_ =	shalt  }
0x83: {  	_ =	shalt  }
0x84: {  	_ =	shalt  }
0x85: {  	_ =	shalt  }
0x86: {  	_ =	shalt  }
0x87: {  	_ =	shalt  }
.Lfunc_end0:
.L_simem_size_0:
called_computation_lowered:
.L_overlay_start_0:
0x88: {  	s2 =	sld [smem:$0x3FD9]  }
0x89: {  	s3 =	sld [smem:$0x3FFE];
	_ =	sdelay $0x1  }
0x8a: {  	s1 =	srdreg.scid  }
0x8b: {  	s0 =	sand.u32 $0x1, s1  }
0x8c: {  	s16 =	sshll.u32 s0, $0xA;
	s2 =	sadd.s32 s3, s2  }
0x8d: {  	s2 =	sadd.s32 s2, s16  }
0x8e: {  	[smem:$0x3FBB] =	sst s2  }
0x8f: {  	_ = 	snop  }
0x90: {  	(tm) =	ssettm $0x1  }
0x91: {  	s17 =	sld [smem:$0x3FFB];
	_ =	sdelay $0x3  }
0x92: {  	_ =	strace s17  }
0x93: {  	s2 =	sld [smem:$0x3FFC];
	_ =	sdelay $0x3  }
0x94: {  	_ =	strace s2  }
0x95: {  	s2 =	sld [smem:$0x3FFD];
	_ =	sdelay $0x3  }
0x96: {  	_ =	strace s2  }
0x97: {  	_ =	strace $0x8FFFFFFF  }
0x98: {  	s18 =	sld [smem:$0x3FDB];
	_ =	sdelay $0x1  }
0x99: {  	s19 =	simm.s32 $_scs_section_size  }
0x9a: {  	s4 =	simm.s32 $_size__tile_overlayer_lowered;
	s5 =	simm.s32 $_tile_overlayer_lowered  }
0x9b: {  	s22 =	simm.s32 $0x1BFF;
	s21 =	sshll.u32 s5, $0x1;
	s2 =	sadd.s32 s19, s18  }
0x9c: {  	s6 =	simm.s32 $0x0;
	s20 =	sshll.u32 s4, $0x1;
	s4 =	sadd.s32 s21, s2  }
0x9d: {  	[timem:s6], [sflag:s22] =	dma.local [hbm:s4], s20  }
0x9e: {  	_ =	swait.ge [sflag:s22], s20  }
0x9f: {  	s3 =	ssub.s32 $0x0, s20;
	[sflag:s22] =	ssyncset.done $0x0  }
0xa0: {  	[sflag:s22] =	ssyncadd.s32 s3;
	_ =	sdelay $0x1  }
0xa1: {  	s23 =	simm.s32 $0x1B8B  }
0xa2: {  	_ =	swait.ge [sflag:s23], $0x1  }
0xa3: {  	[sflag:s23] =	ssyncset.done $0x0  }
0xa4: {  	s25 =	simm.s32 $0x1B8E;
	s24 =	sld [smem:$0x3FFE];
	[sflag:s23] =	ssyncadd.s32 $0xFFFFFFFF  }
0xa5: {  	s26 =	simm.s32 $execute0_lowered;
	[smem:$0x3FD2] =	sst s25  }
0xa6: {  	s4 =	sshll.u32 s26, $0x1;
	_ =	strace $0x80000046;
	[dreg:$0x1] =	wrdreg $0xFFFFFFFF  }
0xa7: {  	s28 =	simm.s32 $_size_execute0_lowered;
	s2 =	sadd.s32 s2, s4;
	[dreg:$0x0] =	wrdreg $0x0  }
0xa8: {  	s4 =	sshll.u32 s28, $0x1;
	[dreg:$0x2] =	wrdreg s2  }
0xa9: {  	[dreg:$0x3] =	wrdreg s4  }
0xaa: {  	[dreg:$0x4] =	wrdreg $0xC0  }
0xab: {  	_ =	task [dreg:s6], $0x5FFFF  }
0xac: {  	[dreg:$0x1] =	wrdreg $0xFFFFFFFF  }
0xad: {  	[dreg:$0x0] =	wrdreg $0x60  }
0xae: {  	[dreg:$0x2] =	wrdreg s24  }
0xaf: {  	[dreg:$0x3] =	wrdreg $0xA8000  }
0xb0: {  	[dreg:$0x4] =	wrdreg $0x9  }
0xb1: {  	_ =	task.clear_ibuf [dreg:s6], $0x5FFFF;
	_ =	strace $0x90000046  }
0xb2: {  	s29 =	simm.s32 $0x9;
	_ =	strace $0x80000048  }
0xb3: {  	_ =	swait.ge [sflag:s29], $0x1  }
0xb4: {  	[sflag:s29] =	ssyncadd.s32 $0xFFFFFFFF  }
0xb5: {  	_ =	strace $0x90000048  }
0xb6: {  	_ =	sfence  }
0xb7: {  	s30 =	sld [smem:$0x0];
	_ =	sdelay $0x2  }
0xb8: {  	s31 =	sshll.u32 s1, $0xD;
	s1 =	sshrl.u32 s1, $0x2  }
0xb9: {  	s3 =	sand.u32 $0x4000, s31;
	s1 =	sadd.s32 s1, s30  }
0xba: {  	s0 =	sor.u32 s3, s0;
	s1 =	sshll.u32 s1, $0x11  }
0xbb: {  	s0 =	sor.u32 s1, s0  }
0xbc: {  	s0 =	sadd.s32 $0x8F2B, s0  }
0xbd: {  	[sflag:s0] =	ssyncadd.remote.s32 $0x1  }
0xbe: {  	_ =	sfence.sel $0xFFFF  }
0xbf: {  	[dreg:$0x0] =	wrdreg $0xFFFFFFFF;
	(pc) =	sbr.abs _section_cstart, $3  }
0xc0: {  	[dreg:$0x1] =	wrdreg $0xFFFFFFFF  }
0xc1: {  	_ =	task.clear_ibuf [dreg:s6], $0x2FFFF;
	_ =	strace $0x9FFFFFFF  }
0xc2: {  	(tm) =	ssettm $0x7FFFFFFF  }
0xc3: {  	_ =	shalt  }
tec
execute0_lowered:
.L_overlay_start_1:
0x0: {  	(tag) =	ssettag $0x1  }
0x1: {  	s5 =	rddreg [dreg:$0x0]  }
0x2: {  	s1 =	rddreg [dreg:$0x1]  }
0x3: {  	s2 =	srdreg.scid;
	s0 =	rddreg [dreg:$0x2];
	s3 =	simm.s32 $0x0  }
0x4: {  	s17 =	simm.s32 $0x5;
	s18 =	simm.s32 $0x1400;
	s19 =	simm.s32 $0x80  }
0x5: {  	s20 =	simm.s32 $0x6800;
	s21 =	simm.s32 $0x1;
	s22 =	simm.s32 $0x3  }
0x6: {  	s23 =	simm.s32 $0x2;
	s24 =	simm.s32 $0x4;
	s25 =	simm.s32 $0x2700  }
0x7: {  	s26 =	simm.s32 $0x2780;
	s6 =	sand.u32 $0x1, s2;
	s2 =	stileid.u32  }
0x8: {  	[smem:$0x7FF] =	sst s3;
	s4 =	sadd.s32 $0x17400, s5;
	s7 =	smul.u32 $0x13C000, s6  }
0x9: {  	s12 =	sadd.s32 $0x3400, s5;
	s13 =	sadd.s32 $0xD400, s5;
	s8 =	smul.u32 $0x13C00, s2  }
0xa: {  	s28 =	smul.u32 $0x4F000, s2;
	s29 =	ssub.s32 $0x2, s6;
	s6 =	sshll.u32 s6, $0x4  }
0xb: {  	_ =	strace $0x80000047;
	s30 =	sshrl.u32 s29, $0x1;
	s9 =	sor.u32 s2, s6  }
0xc: {  	s7 =	sadd.s32 s8, s7;
	s31 =	sshrl.u32 s28, $0x2;
	s10 =	smul.u32 $0x2800, s9  }
0xd: {  	s15 =	ssub.s32 s29, s30;
	s11 =	smul.u32 $0x500, s9;
	s7 =	sshrl.u32 s7, $0x3  }
0xe: {  	s15 =	smax.u32 s15, $0x1;
	s14 =	sadd.s32 s7, s5;
	s5 =	sadd.s32 s31, s1  }
0xf: {  	s16 =	sshrl.u32 s10, $0x3;
	s10 =	sadd.s32 s12, s11;
	s11 =	sadd.s32 s13, s11  }
0x10: {  	s6 =	sadd.s32 $0x4000, s5;
	s7 =	sadd.s32 $0x8000, s5;
	s8 =	sadd.s32 $0xC000, s5  }
0x11: {  	s9 =	sadd.s32 $0x10000, s5;
	s16 =	sadd.s32 $0x280, s16;
	s14 =	sadd.s32 $0x3E600, s14  }
0x12: {  	v0 =	vimm.f32 $0.0e+00;
	s12 =	sadd.s32 s12, s16;
	s13 =	sadd.s32 s13, s16;
	s16 =	simm.s32 $0x2800  }
.LBB2_1:
0x13: {  	s28 =	simm.s32 $0x0;
	s29 =	simm.s32 $0x200  }
.LBB2_2:
0x14: {  	p0 =	sne.s32 s29, $0xFE00;
	[tilespmem:s28+$0x2870] =	vst v0  }
0x15: {  	[tilespmem:s28+$0x2800] =	vst v0  }
0x16: {  	[tilespmem:s28+$0x2810] =	vst v0  }
.Ltmp0:
0x17: {  	[tilespmem:s28+$0x2820] =	vst v0;
	(pc) =	sbr.rel @p0 .LBB2_2-.Ltmp0, $4  }
0x18: {  	[tilespmem:s28+$0x2830] =	vst v0  }
0x19: {  	[tilespmem:s28+$0x2840] =	vst v0  }
0x1a: {  	[tilespmem:s28+$0x2850] =	vst v0  }
0x1b: {  	[tilespmem:s28+$0x2860] =	vst v0;
	s28 =	sshra.s32 s29, $0x2;
	s29 =	sadd.s32 $0x200, s29  }
0x1c: {  	[tilespmem:s28+$0x2870] =	vst v0  }
0x1d: {  	[tilespmem:s28+$0x2800] =	vst v0  }
0x1e: {  	[tilespmem:s28+$0x2810] =	vst v0  }
0x1f: {  	[tilespmem:s28+$0x2820] =	vst v0  }
0x20: {  	[tilespmem:s28+$0x2830] =	vst v0  }
0x21: {  	[tilespmem:s28+$0x2840] =	vst v0  }
0x22: {  	[tilespmem:s28+$0x2850] =	vst v0  }
0x23: {  	[tilespmem:s28+$0x2860] =	vst v0  }
0x24: {  	[spmem:s5] =	stream.linear.scatter [tilespmem:s16], [sflag:$0x5], $0x4000, $0x38;
	[tilespmem:$0x1E400] =	vst v63  }
0x25: {  	_ =	swait.ge [sflag:s17], $0x4000  }
0x26: {  	[sflag:s17] =	ssyncset.done $0x0  }
0x27: {  	[sflag:s17] =	ssyncadd.s32 $0xFFFFC000  }
0x28: {  	[spmem:s6] =	stream.linear.scatter [tilespmem:s16], [sflag:$0x5], $0x4000, $0x38;
	[tilespmem:$0x1E400] =	vst v63  }
0x29: {  	_ =	swait.ge [sflag:s17], $0x4000  }
0x2a: {  	[sflag:s17] =	ssyncset.done $0x0  }
0x2b: {  	[sflag:s17] =	ssyncadd.s32 $0xFFFFC000  }
0x2c: {  	[spmem:s7] =	stream.linear.scatter [tilespmem:s16], [sflag:$0x5], $0x4000, $0x38;
	[tilespmem:$0x1E400] =	vst v63  }
0x2d: {  	_ =	swait.ge [sflag:s17], $0x4000  }
0x2e: {  	[sflag:s17] =	ssyncset.done $0x0  }
0x2f: {  	[sflag:s17] =	ssyncadd.s32 $0xFFFFC000  }
0x30: {  	[spmem:s8] =	stream.linear.scatter [tilespmem:s16], [sflag:$0x5], $0x4000, $0x38;
	[tilespmem:$0x1E400] =	vst v63  }
0x31: {  	_ =	swait.ge [sflag:s17], $0x4000  }
0x32: {  	[sflag:s17] =	ssyncset.done $0x0  }
0x33: {  	[sflag:s17] =	ssyncadd.s32 $0xFFFFC000  }
0x34: {  	[spmem:s9] =	stream.linear.scatter [tilespmem:s16], [sflag:$0x5], $0x3C00, $0x38;
	[tilespmem:$0x1E400] =	vst v63  }
0x35: {  	_ =	swait.ge [sflag:s17], $0x3C00  }
0x36: {  	[sflag:s17] =	ssyncset.done $0x0  }
0x37: {  	[sflag:s17] =	ssyncadd.s32 $0xFFFFC400  }
0x38: {  	s28 =	simm.s32 $0x0;
	[bflag:$0x0] =	sbarrier.arrive $0xFFFF  }
0x39: {  	[tilespmem:s28], [sflag:$0x5] =	stream.linear.gather [hbm4b:s10+s28], $0x1400, $0x38;
	[tilespmem:$0x1E400] =	vst v63  }
0x3a: {  	_ =	swait.ge [sflag:s17], $0x1400  }
0x3b: {  	[sflag:s17] =	ssyncset.done $0x0  }
0x3c: {  	[sflag:s17] =	ssyncadd.s32 $0xFFFFEC00  }
0x3d: {  	[tilespmem:s18], [sflag:$0x5] =	stream.linear.gather [hbm4b:s11+s28], $0x1400, $0x38;
	[tilespmem:$0x1E400] =	vst v63  }
0x3e: {  	_ =	swait.ge [sflag:s17], $0x1400  }
0x3f: {  	[sflag:s17] =	ssyncset.done $0x0  }
0x40: {  	[sflag:s17] =	ssyncadd.s32 $0xFFFFEC00  }
0x41: {  	[tilespmem:s16], [sflag:$0x1] =	stream.indirect.gather [hbm4b:s4+s19], $0x80, s28, s19, $0xb8;
	[tilespmem:$0x1E400] =	vst v63  }
0x42: {  	_ = 	snop  }
0x43: {  	[tilespmem:s20], [sflag:$0x2] =	stream.indirect.gather [hbm4b:s4+s19], $0x80, s19, s19, $0xb8;
	[tilespmem:$0x1E400] =	vst v63  }
0x44: {  	_ =	swait.ge [sflag:s21], $0x4000  }
0x45: {  	[sflag:s21] =	ssyncset.done $0x0  }
0x46: {  	s28 =	simm.s32 $0x1400;
	[sflag:s21] =	ssyncadd.s32 $0xFFFFC000  }
0x47: {  	[spmem:s1] =	stream.indirect.scatter.add.f32 [tilespmem:s16], [sflag:$0x3], $0x80, s28, s19, $0xb8;
	[tilespmem:$0x1E400] =	vst v63  }
0x48: {  	_ =	swait.ge [sflag:s22], $0x4000  }
0x49: {  	[sflag:s22] =	ssyncset.done $0x0  }
0x4a: {  	s28 =	simm.s32 $0x100;
	[sflag:s22] =	ssyncadd.s32 $0xFFFFC000  }
0x4b: {  	[tilespmem:s16], [sflag:$0x1] =	stream.indirect.gather [hbm4b:s4+s19], $0x80, s28, s19, $0xb8;
	[tilespmem:$0x1E400] =	vst v63  }
0x4c: {  	_ =	swait.ge [sflag:s23], $0x4000  }
0x4d: {  	[sflag:s23] =	ssyncset.done $0x0  }
0x4e: {  	s28 =	simm.s32 $0x1480;
	[sflag:s23] =	ssyncadd.s32 $0xFFFFC000  }
0x4f: {  	[spmem:s1] =	stream.indirect.scatter.add.f32 [tilespmem:s20], [sflag:$0x4], $0x80, s28, s19, $0xb8;
	[tilespmem:$0x1E400] =	vst v63  }
0x50: {  	_ =	swait.ge [sflag:s24], $0x4000  }
0x51: {  	[sflag:s24] =	ssyncset.done $0x0  }
0x52: {  	s29 =	simm.s32 $0x180;
	s28 =	simm.s32 $0x400;
	[sflag:s24] =	ssyncadd.s32 $0xFFFFC000  }
.LBB2_4:
0x53: {  	[tilespmem:s20], [sflag:$0x2] =	stream.indirect.gather [hbm4b:s4+s19], $0x80, s29, s19, $0xb8;
	[tilespmem:$0x1E400] =	vst v63  }
0x54: {  	s29 =	smov.u32 s28  }
0x55: {  	p0 =	sne.s32 s28, $0x4800;
	s28 =	sadd.s32 $0x400, s28;
	_ =	swait.ge [sflag:s21], $0x4000  }
0x56: {  	s29 =	sshra.s32 s29, $0x2;
	[sflag:s21] =	ssyncset.done $0x0  }
0x57: {  	s30 =	sadd.s32 $0x1400, s29;
	[sflag:s21] =	ssyncadd.s32 $0xFFFFC000  }
0x58: {  	[spmem:s1] =	stream.indirect.scatter.add.f32 [tilespmem:s16], [sflag:$0x3], $0x80, s30, s19, $0xb8;
	[tilespmem:$0x1E400] =	vst v63  }
0x59: {  	_ =	swait.ge [sflag:s22], $0x4000  }
0x5a: {  	[sflag:s22] =	ssyncset.done $0x0  }
0x5b: {  	s30 =	sadd.s32 $0x100, s29;
	[sflag:s22] =	ssyncadd.s32 $0xFFFFC000  }
0x5c: {  	[tilespmem:s16], [sflag:$0x1] =	stream.indirect.gather [hbm4b:s4+s19], $0x80, s30, s19, $0xb8;
	[tilespmem:$0x1E400] =	vst v63  }
0x5d: {  	_ =	swait.ge [sflag:s23], $0x4000  }
0x5e: {  	[sflag:s23] =	ssyncset.done $0x0  }
.Ltmp1:
0x5f: {  	s30 =	sadd.s32 $0x1480, s29;
	[sflag:s23] =	ssyncadd.s32 $0xFFFFC000;
	(pc) =	sbr.rel @p0 .LBB2_4-.Ltmp1, $4  }
0x60: {  	[spmem:s1] =	stream.indirect.scatter.add.f32 [tilespmem:s20], [sflag:$0x4], $0x80, s30, s19, $0xb8;
	[tilespmem:$0x1E400] =	vst v63  }
0x61: {  	_ =	swait.ge [sflag:s24], $0x4000  }
0x62: {  	[sflag:s24] =	ssyncset.done $0x0  }
0x63: {  	s29 =	sadd.s32 $0x180, s29;
	[sflag:s24] =	ssyncadd.s32 $0xFFFFC000  }
0x64: {  	[tilespmem:s20], [sflag:$0x2] =	stream.indirect.gather [hbm4b:s4+s19], $0x80, s29, s19, $0xb8;
	[tilespmem:$0x1E400] =	vst v63  }
0x65: {  	_ =	swait.ge [sflag:s21], $0x4000  }
0x66: {  	[sflag:s21] =	ssyncset.done $0x0  }
0x67: {  	[sflag:s21] =	ssyncadd.s32 $0xFFFFC000  }
0x68: {  	[spmem:s1] =	stream.indirect.scatter.add.f32 [tilespmem:s16], [sflag:$0x3], $0x80, s25, s19, $0xb8;
	[tilespmem:$0x1E400] =	vst v63  }
0x69: {  	_ =	swait.ge [sflag:s23], $0x4000  }
0x6a: {  	[sflag:s23] =	ssyncset.done $0x0  }
0x6b: {  	[sflag:s23] =	ssyncadd.s32 $0xFFFFC000  }
0x6c: {  	[spmem:s1] =	stream.indirect.scatter.add.f32 [tilespmem:s20], [sflag:$0x4], $0x80, s26, s19, $0xb8;
	[tilespmem:$0x1E400] =	vst v63  }
0x6d: {  	_ =	swait.ge [sflag:s22], $0x4000  }
0x6e: {  	[sflag:s22] =	ssyncset.done $0x0  }
0x6f: {  	[sflag:s22] =	ssyncadd.s32 $0xFFFFC000  }
0x70: {  	_ =	swait.ge [sflag:s24], $0x4000  }
0x71: {  	[sflag:s24] =	ssyncset.done $0x0  }
0x72: {  	s28 =	simm.s32 $0x0;
	[sflag:s24] =	ssyncadd.s32 $0xFFFFC000  }
0x73: {  	[tilespmem:s28], [sflag:$0x5] =	stream.linear.gather [hbm4b:s12+s28], $0x1400, $0x38;
	[tilespmem:$0x1E400] =	vst v63  }
0x74: {  	_ =	swait.ge [sflag:s17], $0x1400  }
0x75: {  	[sflag:s17] =	ssyncset.done $0x0  }
0x76: {  	[sflag:s17] =	ssyncadd.s32 $0xFFFFEC00  }
0x77: {  	[tilespmem:s18], [sflag:$0x5] =	stream.linear.gather [hbm4b:s13+s28], $0x1400, $0x38;
	[tilespmem:$0x1E400] =	vst v63  }
0x78: {  	_ =	swait.ge [sflag:s17], $0x1400  }
0x79: {  	[sflag:s17] =	ssyncset.done $0x0  }
0x7a: {  	[sflag:s17] =	ssyncadd.s32 $0xFFFFEC00  }
0x7b: {  	[tilespmem:s16], [sflag:$0x1] =	stream.indirect.gather [hbm4b:s4+s19], $0x80, s28, s19, $0xb8;
	[tilespmem:$0x1E400] =	vst v63  }
0x7c: {  	_ = 	snop  }
0x7d: {  	[tilespmem:s20], [sflag:$0x2] =	stream.indirect.gather [hbm4b:s4+s19], $0x80, s19, s19, $0xb8;
	[tilespmem:$0x1E400] =	vst v63  }
0x7e: {  	_ =	swait.ge [sflag:s21], $0x4000  }
0x7f: {  	[sflag:s21] =	ssyncset.done $0x0  }
0x80: {  	s28 =	simm.s32 $0x1400;
	[sflag:s21] =	ssyncadd.s32 $0xFFFFC000  }
0x81: {  	[spmem:s1] =	stream.indirect.scatter.add.f32 [tilespmem:s16], [sflag:$0x3], $0x80, s28, s19, $0xb8;
	[tilespmem:$0x1E400] =	vst v63  }
0x82: {  	_ =	swait.ge [sflag:s22], $0x4000  }
0x83: {  	[sflag:s22] =	ssyncset.done $0x0  }
0x84: {  	s28 =	simm.s32 $0x100;
	[sflag:s22] =	ssyncadd.s32 $0xFFFFC000  }
0x85: {  	[tilespmem:s16], [sflag:$0x1] =	stream.indirect.gather [hbm4b:s4+s19], $0x80, s28, s19, $0xb8;
	[tilespmem:$0x1E400] =	vst v63  }
0x86: {  	_ =	swait.ge [sflag:s23], $0x4000  }
0x87: {  	[sflag:s23] =	ssyncset.done $0x0  }
0x88: {  	s28 =	simm.s32 $0x1480;
	[sflag:s23] =	ssyncadd.s32 $0xFFFFC000  }
0x89: {  	[spmem:s1] =	stream.indirect.scatter.add.f32 [tilespmem:s20], [sflag:$0x4], $0x80, s28, s19, $0xb8;
	[tilespmem:$0x1E400] =	vst v63  }
0x8a: {  	_ =	swait.ge [sflag:s24], $0x4000  }
0x8b: {  	[sflag:s24] =	ssyncset.done $0x0  }
0x8c: {  	s29 =	simm.s32 $0x180;
	s28 =	simm.s32 $0x400;
	[sflag:s24] =	ssyncadd.s32 $0xFFFFC000  }
.LBB2_6:
0x8d: {  	[tilespmem:s20], [sflag:$0x2] =	stream.indirect.gather [hbm4b:s4+s19], $0x80, s29, s19, $0xb8;
	[tilespmem:$0x1E400] =	vst v63  }
0x8e: {  	s29 =	smov.u32 s28  }
0x8f: {  	p0 =	sne.s32 s28, $0x4800;
	s28 =	sadd.s32 $0x400, s28;
	_ =	swait.ge [sflag:s21], $0x4000  }
0x90: {  	s29 =	sshra.s32 s29, $0x2;
	[sflag:s21] =	ssyncset.done $0x0  }
0x91: {  	s30 =	sadd.s32 $0x1400, s29;
	[sflag:s21] =	ssyncadd.s32 $0xFFFFC000  }
0x92: {  	[spmem:s1] =	stream.indirect.scatter.add.f32 [tilespmem:s16], [sflag:$0x3], $0x80, s30, s19, $0xb8;
	[tilespmem:$0x1E400] =	vst v63  }
0x93: {  	_ =	swait.ge [sflag:s22], $0x4000  }
0x94: {  	[sflag:s22] =	ssyncset.done $0x0  }
0x95: {  	s30 =	sadd.s32 $0x100, s29;
	[sflag:s22] =	ssyncadd.s32 $0xFFFFC000  }
0x96: {  	[tilespmem:s16], [sflag:$0x1] =	stream.indirect.gather [hbm4b:s4+s19], $0x80, s30, s19, $0xb8;
	[tilespmem:$0x1E400] =	vst v63  }
0x97: {  	_ =	swait.ge [sflag:s23], $0x4000  }
0x98: {  	[sflag:s23] =	ssyncset.done $0x0  }
.Ltmp2:
0x99: {  	s30 =	sadd.s32 $0x1480, s29;
	[sflag:s23] =	ssyncadd.s32 $0xFFFFC000;
	(pc) =	sbr.rel @p0 .LBB2_6-.Ltmp2, $4  }
0x9a: {  	[spmem:s1] =	stream.indirect.scatter.add.f32 [tilespmem:s20], [sflag:$0x4], $0x80, s30, s19, $0xb8;
	[tilespmem:$0x1E400] =	vst v63  }
0x9b: {  	_ =	swait.ge [sflag:s24], $0x4000  }
0x9c: {  	[sflag:s24] =	ssyncset.done $0x0  }
0x9d: {  	s29 =	sadd.s32 $0x180, s29;
	[sflag:s24] =	ssyncadd.s32 $0xFFFFC000  }
0x9e: {  	[tilespmem:s20], [sflag:$0x2] =	stream.indirect.gather [hbm4b:s4+s19], $0x80, s29, s19, $0xb8;
	[tilespmem:$0x1E400] =	vst v63  }
0x9f: {  	_ =	swait.ge [sflag:s21], $0x4000  }
0xa0: {  	[sflag:s21] =	ssyncset.done $0x0  }
0xa1: {  	[sflag:s21] =	ssyncadd.s32 $0xFFFFC000  }
0xa2: {  	[spmem:s1] =	stream.indirect.scatter.add.f32 [tilespmem:s16], [sflag:$0x3], $0x80, s25, s19, $0xb8;
	[tilespmem:$0x1E400] =	vst v63  }
0xa3: {  	_ =	swait.ge [sflag:s23], $0x4000  }
0xa4: {  	[sflag:s23] =	ssyncset.done $0x0  }
0xa5: {  	[sflag:s23] =	ssyncadd.s32 $0xFFFFC000  }
0xa6: {  	[spmem:s1] =	stream.indirect.scatter.add.f32 [tilespmem:s20], [sflag:$0x4], $0x80, s26, s19, $0xb8;
	[tilespmem:$0x1E400] =	vst v63  }
0xa7: {  	_ =	swait.ge [sflag:s22], $0x4000  }
0xa8: {  	[sflag:s22] =	ssyncset.done $0x0  }
0xa9: {  	[sflag:s22] =	ssyncadd.s32 $0xFFFFC000  }
0xaa: {  	_ =	swait.ge [sflag:s24], $0x4000  }
0xab: {  	s28 =	sshll.u32 s2, $0x6;
	s3 =	sadd.s32 $0x1, s3;
	[sflag:s24] =	ssyncset.done $0x0  }
0xac: {  	s31 =	sshrl.u32 s5, $0x3;
	p0 =	sne.s32 s3, s15;
	[sflag:s24] =	ssyncadd.s32 $0xFFFFC000  }
.Ltmp3:
0xad: {  	s28 =	sor.u32 $0x1C05, s28;
	[bflag:$0x0] =	sbarrier.arrive $0xFFFF;
	(pc) =	sbr.rel @p0 .LBB2_1-.Ltmp3, $4  }
0xae: {  	[hbm:s14], [sflag:s28] =	dma.local [spmem:s31], $0x2780  }
0xaf: {  	_ =	swait.ge [sflag:s17], $0x2780  }
0xb0: {  	[sflag:s17] =	ssyncset.done $0x0  }
0xb1: {  	[sflag:s17] =	ssyncadd.s32 $0xFFFFD880  }
0xb2: {  	_ =	sfence.sel $0x180000  }
0xb3: {  	[bflag:$0x0] =	sbarrier.arrive $0xFFFF  }
0xb4: {  	p0 =	sne.s32 s2, $0x0;
	_ =	strace $0x90000047  }
0xb5: {  	s0 =	sadd.s32 @!p0 $0x100000, s0;
	[bflag:$0x2] =	sbarrier.arrive $0xFFFF  }
0xb6: {  	[sflag:s0] =	ssyncadd.tile.s32 @!p0 $0x1;
	_ =	shalt  }
.Lfunc_end2:
_tile_overlayer_lowered:
.L_overlay_start_2:
0xb7: {  	(tag) =	ssettag $0x2  }
0xb8: {  	s0 =	rddreg [dreg:$0x0];
	s2 =	stileid.u32  }
0xb9: {  	s1 =	rddreg [dreg:$0x1];
	p0 =	sne.s32 s2, $0x0  }
0xba: {  	s3 =	rddreg [dreg:$0x2];
	[bflag:$0x3] =	sbarrier.arrive $0xFFFF;
	s2 =	simm.s32 @!p0 $0x1C05  }
0xbb: {  	[timem:s3], [sflag:s2] =	dma.local @!p0 [hbm:s0], s1  }
0xbc: {  	s0 =	simm.s32 @!p0 $0x5  }
0xbd: {  	_ =	swait.ge @!p0 [sflag:s0], s1  }
0xbe: {  	s1 =	ssub.s32 @!p0 $0x0, s1;
	[sflag:s0] =	ssyncset.done @!p0 $0x0  }
0xbf: {  	[sflag:s0] =	ssyncadd.s32 @!p0 s1  }
0xc0: {  	[bflag:$0x3] =	sbarrier.arrive $0xFFFF  }
0xc1: {  	_ =	shalt  }

</sc_bundles>
